<compile_context>
chip_gen: v7x
topology: tpu7x:2x2x1
jax: 0.10.2.dev20260603
libtpu: 0.0.44.dev20260713+nightly
codegen_flags: <defaults>
</compile_context>

<pallas_src>
import jax
import jax.numpy as jnp
from jax import lax
from jax.experimental import pallas as pl
from jax.experimental.pallas import tpu as pltpu
from jax.experimental.pallas import tpu_sc as plsc

B = 64
E = 100000
R = 32
H = 16
C = 500000
EPS = 1e-6

CB = 16384
NMAIN = C // CB
CTAIL = C - NMAIN * CB
NBLK = NMAIN + 1
DEPTH = 4
NSPLIT = 4
RS = R // NSPLIT
CQ = CB // 8

SENT = B * E
CHUNK = 4096
LPAD = C + CHUNK + 16
NC = 2
NS = 16
LANES = 16
NSTARTS = 80


def _score(rc, ruleta_ref, sqrow_ref, w1g_ref, bb2_ref, w2t_ref, b2_ref):
    msgx = jnp.dot(ruleta_ref[...], rc,
                   preferred_element_type=jnp.float32)
    msg = msgx[0:H]
    d = msgx[H:H + 1] + EPS
    mu = msgx[H + 1:H + 2]
    xc = msg - mu
    var = jnp.dot(sqrow_ref[...], xc * xc,
                  preferred_element_type=jnp.float32)[0:1]
    inv = lax.rsqrt(var + 1e-5 * d * d)
    xhat = xc * inv
    z = jnp.dot(w1g_ref[...], xhat,
                preferred_element_type=jnp.float32)
    hdn = jnp.maximum(z + bb2_ref[...], 0.0)
    s = jnp.dot(w2t_ref[...], hdn,
                preferred_element_type=jnp.float32)[0:1]
    return s + b2_ref[...]


def _dense_body(rc_hbm, rc_tail_ref, ruleta_ref, sqrow_ref, w1g_ref, bb2_ref,
                w2t_ref, b2_ref, s_ref, rc_buf, sems):
    i = pl.program_id(0)

    def issue(slot, blk):
        for sp in range(NSPLIT):
            pltpu.make_async_copy(
                rc_hbm.at[pl.ds(sp * RS, RS), pl.ds(blk * CB, CB)],
                rc_buf.at[slot, pl.ds(sp * RS, RS), :],
                sems.at[slot, sp]).start()

    def wait(slot, blk):
        for sp in range(NSPLIT):
            pltpu.make_async_copy(
                rc_hbm.at[pl.ds(sp * RS, RS), pl.ds(blk * CB, CB)],
                rc_buf.at[slot, pl.ds(sp * RS, RS), :],
                sems.at[slot, sp]).wait()

    @pl.when(i == 0)
    def _():
        for b in range(DEPTH - 1):
            issue(b, b)

    nxt = i + DEPTH - 1

    @pl.when(nxt < NMAIN)
    def _():
        issue(lax.rem(nxt, DEPTH), nxt)

    @pl.when(i < NMAIN)
    def _():
        slot = lax.rem(i, DEPTH)
        wait(slot, i)
        s = _score(rc_buf[slot], ruleta_ref, sqrow_ref, w1g_ref, bb2_ref,
                   w2t_ref, b2_ref)
        s_ref[...] = jnp.reshape(s, (8, CQ))

    @pl.when(i == NMAIN)
    def _():
        st = _score(rc_tail_ref[...], ruleta_ref, sqrow_ref, w1g_ref,
                    bb2_ref, w2t_ref, b2_ref)
        sfull = jnp.concatenate(
            [st, jnp.zeros((1, CB - CTAIL), jnp.float32)], axis=1)
        s_ref[...] = jnp.reshape(sfull, (8, CQ))


def _dense_stage(rule_count, rule_emb, rel_emb, ln_g, ln_b, W1, b1, W2, b2):
    ruleta = jnp.zeros((24, R), jnp.float32)
    ruleta = ruleta.at[0:H].set(rule_emb.T)
    ruleta = ruleta.at[H].set(1.0)
    ruleta = ruleta.at[H + 1].set(jnp.mean(rule_emb.T, axis=0))
    sqrow = jnp.zeros((8, H), jnp.float32).at[0].set(1.0 / H)
    w1g = (W1[:H, :] * ln_g[:, None]).T
    bb2 = (W1[:H, :].T @ ln_b + W1[H:, :].T @ rel_emb + b1).reshape(128, 1)
    w2t = jnp.zeros((8, 128), jnp.float32).at[0].set(W2[:, 0])

    rc_tail = rule_count[:, NMAIN * CB:]

    s8 = pl.pallas_call(
        _dense_body,
        grid=(NBLK,),
        in_specs=[
            pl.BlockSpec(memory_space=pl.ANY),
            pl.BlockSpec((R, CTAIL), lambda i: (0, 0)),
            pl.BlockSpec((24, R), lambda i: (0, 0)),
            pl.BlockSpec((8, H), lambda i: (0, 0)),
            pl.BlockSpec((128, H), lambda i: (0, 0)),
            pl.BlockSpec((128, 1), lambda i: (0, 0)),
            pl.BlockSpec((8, 128), lambda i: (0, 0)),
            pl.BlockSpec((1, 1), lambda i: (0, 0)),
        ],
        out_specs=pl.BlockSpec((8, CQ), lambda i: (0, i)),
        out_shape=jax.ShapeDtypeStruct((8, CQ * NBLK), jnp.float32),
        scratch_shapes=[
            pltpu.VMEM((DEPTH, R, CB), jnp.float32),
            pltpu.SemaphoreType.DMA((DEPTH, NSPLIT)),
        ],
    )(rule_count, rc_tail, ruleta, sqrow, w1g, bb2, w2t, b2.reshape(1, 1))

    s_lin = s8.reshape(8, NBLK, CQ).transpose(1, 0, 2).reshape(NBLK * CB)
    return s_lin[:C]


def _lookup(starts_v, k):
    res = jnp.int32(0)
    io = lax.iota(jnp.int32, LANES)
    for v in range(NSTARTS // LANES):
        vec = starts_v[pl.ds(v * LANES, LANES)]
        sel = jnp.where(io == (k - v * LANES), vec, 0)
        res = res + jnp.sum(sel)
    return res


def _scatter_body(cs_hbm, sval_hbm, bias_hbm, starts_hbm, out_hbm,
                  rowbuf, idx_v, val_v, starts_v):
    w = lax.axis_index("s") * NC + lax.axis_index("c")
    pltpu.sync_copy(starts_hbm, starts_v)
    for rr in range(2):
        r = w * 2 + rr
        row_base = r * E
        lo = _lookup(starts_v, r)
        hi = _lookup(starts_v, r + 1)
        pltpu.sync_copy(bias_hbm, rowbuf)
        lo8 = (lo // 8) * 8
        nch = (hi - lo8 + (CHUNK - 1)) // CHUNK

        def chunk_body(i, _, row_base=row_base, lo8=lo8):
            off = pl.multiple_of(lo8 + i * CHUNK, 8)
            pltpu.sync_copy(cs_hbm.at[pl.ds(off, CHUNK + LANES)], idx_v)
            pltpu.sync_copy(sval_hbm.at[pl.ds(off, CHUNK)], val_v)

            def vec_body(j, __, row_base=row_base):
                idx = idx_v[pl.ds(j * LANES, LANES)]
                nxt = idx_v[pl.ds(j * LANES + 1, LANES)]
                vals = val_v[pl.ds(j * LANES, LANES)]
                m = (idx >= row_base) & (idx < row_base + E) & (idx != nxt)
                local = jnp.where(m, idx - row_base, 0)
                plsc.addupdate_scatter(rowbuf, [local], vals, mask=m)
                return 0

            lax.fori_loop(0, CHUNK // LANES, vec_body, 0, unroll=8)
            return 0

        lax.fori_loop(0, nch, chunk_body, 0)
        pltpu.sync_copy(rowbuf,
                        out_hbm.at[pl.ds(pl.multiple_of(row_base, 8), E)])


def kernel(rule_count, candidate_set, rule_emb, rel_emb, ln_g, ln_b,
           W1, b1, W2, b2, bias):
    cs = candidate_set
    s_lin = _dense_stage(rule_count, rule_emb, rel_emb, ln_g, ln_b, W1, b1,
                         W2, b2)

    cs_pad = jnp.concatenate([cs, jnp.full((LPAD - C,), SENT, jnp.int32)])
    sval_pad = jnp.concatenate([s_lin, jnp.zeros((LPAD - C,), jnp.float32)])

    bounds = jnp.arange(B + 1, dtype=jnp.int32) * E
    starts = jnp.searchsorted(cs, bounds).astype(jnp.int32)
    starts = jnp.concatenate(
        [starts, jnp.full((NSTARTS - (B + 1),), C, jnp.int32)])

    mesh = plsc.VectorSubcoreMesh(core_axis_name="c", subcore_axis_name="s")
    scatter = pl.kernel(
        _scatter_body,
        out_type=jax.ShapeDtypeStruct((B * E,), jnp.float32),
        mesh=mesh,
        scratch_types=[
            pltpu.VMEM((E,), jnp.float32),
            pltpu.VMEM((CHUNK + LANES,), jnp.int32),
            pltpu.VMEM((CHUNK,), jnp.float32),
            pltpu.VMEM((NSTARTS,), jnp.int32),
        ],
        compiler_params=pltpu.CompilerParams(needs_layout_passes=False),
    )
    flat = scatter(cs_pad, sval_pad, bias, starts)

    score = flat.reshape(B, E)
    mask = jnp.ones((B, E), dtype=bool)
    return (score, mask)

# --- scband reference (transcript-rebuilt; emitter-appended) ---
"""Pipeline reference for scband-predictor-plus-8924942041235 (READ-ONLY COPY).

The authoritative reference and input builder live on the scoring server;
editing this copy changes nothing except your own understanding.
"""

import jax, jax.numpy as jnp
import numpy as np

B = 64
E = 100000
R = 32
C = 500000
H = 16
EPS = 1e-6

def setup_inputs(seed: int = 0) -> dict:
    key = jax.random.key(seed)
    ks = jax.random.split(key, 8)
    rule_count = jax.random.uniform(ks[0], (R, C), dtype=jnp.float32)
    candidate_set = jnp.sort(jax.random.randint(ks[1], (C,), 0, B * E, dtype=jnp.int32))
    rule_emb = jax.random.normal(ks[2], (R, H), dtype=jnp.float32)
    rel_emb = jax.random.normal(ks[3], (H,), dtype=jnp.float32)
    ln_g = jnp.ones((H,), dtype=jnp.float32)
    ln_b = jnp.zeros((H,), dtype=jnp.float32)
    W1 = jax.random.normal(ks[4], (2 * H, 128), dtype=jnp.float32) * (1.0 / np.sqrt(2 * H))
    b1 = jnp.zeros((128,), dtype=jnp.float32)
    W2 = jax.random.normal(ks[5], (128, 1), dtype=jnp.float32) * (1.0 / np.sqrt(128))
    b2 = jnp.zeros((1,), dtype=jnp.float32)
    bias = jnp.zeros((E,), dtype=jnp.float32)
    return {"rule_count": rule_count, "candidate_set": candidate_set, "rule_emb": rule_emb, "rel_emb": rel_emb, "ln_g": ln_g, "ln_b": ln_b, "W1": W1, "b1": b1, "W2": W2, "b2": b2, "bias": bias}

def reference(rule_count, candidate_set, rule_emb, rel_emb, ln_g, ln_b, W1, b1, W2, b2, bias):
    # FuncToNodeSum: weighted mean of rule embeddings per candidate + LayerNorm
    msg = rule_count.T @ rule_emb                      # [C, H]
    denom = jnp.sum(rule_count, axis=0)[:, None] + EPS # [C, 1]
    out = msg / denom
    mu = jnp.mean(out, axis=-1, keepdims=True)
    var = jnp.var(out, axis=-1, keepdims=True)
    out = (out - mu) / jnp.sqrt(var + 1e-5) * ln_g + ln_b
    # concat query-relation embedding
    rel = jnp.broadcast_to(rel_emb[None, :], (out.shape[0], H))
    feature = jnp.concatenate([out, rel], axis=-1)     # [C, 2H]
    # MLP(2H -> 128 -> 1)
    hdn = jax.nn.relu(feature @ W1 + b1)
    s = (hdn @ W2 + b2)[:, 0]                          # [C]
    # scatter candidate scores into the full (B*E) score memory
    score = jnp.zeros((B * E,), dtype=jnp.float32).at[candidate_set].set(s)
    score = score.reshape(B, E) + bias[None, :]
    mask = jnp.ones((B, E), dtype=bool)
    return (score, mask)

if __name__ == "__main__":
    import jax
    _d = setup_inputs()
    print(jax.jit(kernel)(*tuple(_d.values())))

</pallas_src>

<mosaic_0001>
#map = affine_map<(d0, d1) -> (0)>
module attributes {stable_mosaic.version = 14 : i64} {
  func.func @_scatter_body(%arg0: i32, %arg1: i32, %arg2: memref<504112xi32, #tpu.memory_space<hbm>>, %arg3: memref<504112xf32, #tpu.memory_space<hbm>>, %arg4: memref<100000xf32, #tpu.memory_space<hbm>>, %arg5: memref<80xi32, #tpu.memory_space<hbm>>, %arg6: memref<6400000xf32, #tpu.memory_space<hbm>>, %arg7: memref<100000xf32, #tpu.memory_space<vmem>>, %arg8: memref<4112xi32, #tpu.memory_space<vmem>>, %arg9: memref<4096xf32, #tpu.memory_space<vmem>>, %arg10: memref<80xi32, #tpu.memory_space<vmem>>) attributes {dimension_semantics = [#tpu.dimension_semantics<core_parallel>, #tpu.dimension_semantics<subcore_parallel>], iteration_bounds = array<i64: 2, 16>, scalar_prefetch = 0 : i64, scratch_operands = 4 : i64, tpu.core_type = #tpu.core_type<sc_vector_subcore>, window_params = [{transform_indices = #map}, {transform_indices = #map}, {transform_indices = #map}, {transform_indices = #map}, {transform_indices = #map}]} {
    %mul3A = arith.constant 2 : i32
    %mul3A_0 = arith.muli %arg1, %mul3A : i32
    %add3A = arith.addi %mul3A_0, %arg0 : i32
    "tpu.region"() ({
      %run_scoped3A = tpu.sem_alloc : memref<!tpu.dma_semaphore, #tpu.memory_space<semaphore_mem>>
      tpu.enqueue_dma source(%arg5 : memref<80xi32, #tpu.memory_space<hbm>>) target(%arg10 : memref<80xi32, #tpu.memory_space<vmem>>) target_semaphore(%run_scoped3A : memref<!tpu.dma_semaphore, #tpu.memory_space<semaphore_mem>>)
      tpu.wait_dma2 semaphore(%run_scoped3A : memref<!tpu.dma_semaphore, #tpu.memory_space<semaphore_mem>>) src(%arg5 : memref<80xi32, #tpu.memory_space<hbm>>) dst(%arg10 : memref<80xi32, #tpu.memory_space<vmem>>)
      tpu.yield
    }) : () -> ()
    %mul3A_1 = arith.constant 2 : i32
    %mul3A_2 = arith.muli %add3A, %mul3A_1 : i32
    %add3A_3 = arith.constant 0 : i32
    %add3A_4 = arith.addi %mul3A_2, %add3A_3 : i32
    %mul3A_5 = arith.constant 100000 : i32
    %mul3A_6 = arith.muli %add3A_4, %mul3A_5 : i32
    %iota3A = tpu.iota {dimensions = array<i32: 0>} : vector<16xi32>
    %get3A = arith.constant 0 : index
    %get3A_7 = tpu.vector_load %arg10[%get3A] {strides = array<i32>} : memref<80xi32, #tpu.memory_space<vmem>>, vector<16xi32>,
    %sub3A = arith.constant 0 : i32
    %sub3A_8 = arith.subi %add3A_4, %sub3A : i32
    %eq3A = vector.broadcast %sub3A_8 : i32 to vector<16xi32>
    %eq3A_9 = arith.cmpi eq, %iota3A, %eq3A : vector<16xi32>
    %jit3A = arith.constant 0 : i32
    %broadcast_in_dim3A = vector.broadcast %jit3A : i32 to vector<16xi32>
    %select_n3A = arith.select %eq3A_9, %get3A_7, %broadcast_in_dim3A : vector<16xi1>, vector<16xi32>
    %reduce_sum3A = arith.constant true
    %reduce_sum3A_10 = vector.broadcast %reduce_sum3A : i1 to vector<16xi1>
    %reduce_sum3A_11 = tpu.scan <sum>, %select_n3A masked %reduce_sum3A_10 : vector<16xi32>, vector<16xi1> -> vector<16xi32>
    %reduce_sum3A_12 = vector.extract %reduce_sum3A_11[15] : i32 from vector<16xi32>
    %add3A_13 = arith.constant 0 : i32
    %add3A_14 = arith.addi %add3A_13, %reduce_sum3A_12 : i32
    %get3A_15 = arith.constant 16 : index
    %get3A_16 = tpu.vector_load %arg10[%get3A_15] {strides = array<i32>} : memref<80xi32, #tpu.memory_space<vmem>>, vector<16xi32>,
    %sub3A_17 = arith.constant 16 : i32
    %sub3A_18 = arith.subi %add3A_4, %sub3A_17 : i32
    %eq3A_19 = vector.broadcast %sub3A_18 : i32 to vector<16xi32>
    %eq3A_20 = arith.cmpi eq, %iota3A, %eq3A_19 : vector<16xi32>
    %jit3A_21 = arith.constant 0 : i32
    %broadcast_in_dim3A_22 = vector.broadcast %jit3A_21 : i32 to vector<16xi32>
    %select_n3A_23 = arith.select %eq3A_20, %get3A_16, %broadcast_in_dim3A_22 : vector<16xi1>, vector<16xi32>
    %reduce_sum3A_24 = arith.constant true
    %reduce_sum3A_25 = vector.broadcast %reduce_sum3A_24 : i1 to vector<16xi1>
    %reduce_sum3A_26 = tpu.scan <sum>, %select_n3A_23 masked %reduce_sum3A_25 : vector<16xi32>, vector<16xi1> -> vector<16xi32>
    %reduce_sum3A_27 = vector.extract %reduce_sum3A_26[15] : i32 from vector<16xi32>
    %add3A_28 = arith.addi %add3A_14, %reduce_sum3A_27 : i32
    %get3A_29 = arith.constant 32 : index
    %get3A_30 = tpu.vector_load %arg10[%get3A_29] {strides = array<i32>} : memref<80xi32, #tpu.memory_space<vmem>>, vector<16xi32>,
    %sub3A_31 = arith.constant 32 : i32
    %sub3A_32 = arith.subi %add3A_4, %sub3A_31 : i32
    %eq3A_33 = vector.broadcast %sub3A_32 : i32 to vector<16xi32>
    %eq3A_34 = arith.cmpi eq, %iota3A, %eq3A_33 : vector<16xi32>
    %jit3A_35 = arith.constant 0 : i32
    %broadcast_in_dim3A_36 = vector.broadcast %jit3A_35 : i32 to vector<16xi32>
    %select_n3A_37 = arith.select %eq3A_34, %get3A_30, %broadcast_in_dim3A_36 : vector<16xi1>, vector<16xi32>
    %reduce_sum3A_38 = arith.constant true
    %reduce_sum3A_39 = vector.broadcast %reduce_sum3A_38 : i1 to vector<16xi1>
    %reduce_sum3A_40 = tpu.scan <sum>, %select_n3A_37 masked %reduce_sum3A_39 : vector<16xi32>, vector<16xi1> -> vector<16xi32>
    %reduce_sum3A_41 = vector.extract %reduce_sum3A_40[15] : i32 from vector<16xi32>
    %add3A_42 = arith.addi %add3A_28, %reduce_sum3A_41 : i32
    %get3A_43 = arith.constant 48 : index
    %get3A_44 = tpu.vector_load %arg10[%get3A_43] {strides = array<i32>} : memref<80xi32, #tpu.memory_space<vmem>>, vector<16xi32>,
    %sub3A_45 = arith.constant 48 : i32
    %sub3A_46 = arith.subi %add3A_4, %sub3A_45 : i32
    %eq3A_47 = vector.broadcast %sub3A_46 : i32 to vector<16xi32>
    %eq3A_48 = arith.cmpi eq, %iota3A, %eq3A_47 : vector<16xi32>
    %jit3A_49 = arith.constant 0 : i32
    %broadcast_in_dim3A_50 = vector.broadcast %jit3A_49 : i32 to vector<16xi32>
    %select_n3A_51 = arith.select %eq3A_48, %get3A_44, %broadcast_in_dim3A_50 : vector<16xi1>, vector<16xi32>
    %reduce_sum3A_52 = arith.constant true
    %reduce_sum3A_53 = vector.broadcast %reduce_sum3A_52 : i1 to vector<16xi1>
    %reduce_sum3A_54 = tpu.scan <sum>, %select_n3A_51 masked %reduce_sum3A_53 : vector<16xi32>, vector<16xi1> -> vector<16xi32>
    %reduce_sum3A_55 = vector.extract %reduce_sum3A_54[15] : i32 from vector<16xi32>
    %add3A_56 = arith.addi %add3A_42, %reduce_sum3A_55 : i32
    %get3A_57 = arith.constant 64 : index
    %get3A_58 = tpu.vector_load %arg10[%get3A_57] {strides = array<i32>} : memref<80xi32, #tpu.memory_space<vmem>>, vector<16xi32>,
    %sub3A_59 = arith.constant 64 : i32
    %sub3A_60 = arith.subi %add3A_4, %sub3A_59 : i32
    %eq3A_61 = vector.broadcast %sub3A_60 : i32 to vector<16xi32>
    %eq3A_62 = arith.cmpi eq, %iota3A, %eq3A_61 : vector<16xi32>
    %jit3A_63 = arith.constant 0 : i32
    %broadcast_in_dim3A_64 = vector.broadcast %jit3A_63 : i32 to vector<16xi32>
    %select_n3A_65 = arith.select %eq3A_62, %get3A_58, %broadcast_in_dim3A_64 : vector<16xi1>, vector<16xi32>
    %reduce_sum3A_66 = arith.constant true
    %reduce_sum3A_67 = vector.broadcast %reduce_sum3A_66 : i1 to vector<16xi1>
    %reduce_sum3A_68 = tpu.scan <sum>, %select_n3A_65 masked %reduce_sum3A_67 : vector<16xi32>, vector<16xi1> -> vector<16xi32>
    %reduce_sum3A_69 = vector.extract %reduce_sum3A_68[15] : i32 from vector<16xi32>
    %add3A_70 = arith.addi %add3A_56, %reduce_sum3A_69 : i32
    %add3A_71 = arith.constant 1 : i32
    %add3A_72 = arith.addi %add3A_4, %add3A_71 : i32
    %iota3A_73 = tpu.iota {dimensions = array<i32: 0>} : vector<16xi32>
    %get3A_74 = arith.constant 0 : index
    %get3A_75 = tpu.vector_load %arg10[%get3A_74] {strides = array<i32>} : memref<80xi32, #tpu.memory_space<vmem>>, vector<16xi32>,
    %sub3A_76 = arith.constant 0 : i32
    %sub3A_77 = arith.subi %add3A_72, %sub3A_76 : i32
    %eq3A_78 = vector.broadcast %sub3A_77 : i32 to vector<16xi32>
    %eq3A_79 = arith.cmpi eq, %iota3A_73, %eq3A_78 : vector<16xi32>
    %jit3A_80 = arith.constant 0 : i32
    %broadcast_in_dim3A_81 = vector.broadcast %jit3A_80 : i32 to vector<16xi32>
    %select_n3A_82 = arith.select %eq3A_79, %get3A_75, %broadcast_in_dim3A_81 : vector<16xi1>, vector<16xi32>
    %reduce_sum3A_83 = arith.constant true
    %reduce_sum3A_84 = vector.broadcast %reduce_sum3A_83 : i1 to vector<16xi1>
    %reduce_sum3A_85 = tpu.scan <sum>, %select_n3A_82 masked %reduce_sum3A_84 : vector<16xi32>, vector<16xi1> -> vector<16xi32>
    %reduce_sum3A_86 = vector.extract %reduce_sum3A_85[15] : i32 from vector<16xi32>
    %add3A_87 = arith.constant 0 : i32
    %add3A_88 = arith.addi %add3A_87, %reduce_sum3A_86 : i32
    %get3A_89 = arith.constant 16 : index
    %get3A_90 = tpu.vector_load %arg10[%get3A_89] {strides = array<i32>} : memref<80xi32, #tpu.memory_space<vmem>>, vector<16xi32>,
    %sub3A_91 = arith.constant 16 : i32
    %sub3A_92 = arith.subi %add3A_72, %sub3A_91 : i32
    %eq3A_93 = vector.broadcast %sub3A_92 : i32 to vector<16xi32>
    %eq3A_94 = arith.cmpi eq, %iota3A_73, %eq3A_93 : vector<16xi32>
    %jit3A_95 = arith.constant 0 : i32
    %broadcast_in_dim3A_96 = vector.broadcast %jit3A_95 : i32 to vector<16xi32>
    %select_n3A_97 = arith.select %eq3A_94, %get3A_90, %broadcast_in_dim3A_96 : vector<16xi1>, vector<16xi32>
    %reduce_sum3A_98 = arith.constant true
    %reduce_sum3A_99 = vector.broadcast %reduce_sum3A_98 : i1 to vector<16xi1>
    %reduce_sum3A_100 = tpu.scan <sum>, %select_n3A_97 masked %reduce_sum3A_99 : vector<16xi32>, vector<16xi1> -> vector<16xi32>
    %reduce_sum3A_101 = vector.extract %reduce_sum3A_100[15] : i32 from vector<16xi32>
    %add3A_102 = arith.addi %add3A_88, %reduce_sum3A_101 : i32
    %get3A_103 = arith.constant 32 : index
    %get3A_104 = tpu.vector_load %arg10[%get3A_103] {strides = array<i32>} : memref<80xi32, #tpu.memory_space<vmem>>, vector<16xi32>,
    %sub3A_105 = arith.constant 32 : i32
    %sub3A_106 = arith.subi %add3A_72, %sub3A_105 : i32
    %eq3A_107 = vector.broadcast %sub3A_106 : i32 to vector<16xi32>
    %eq3A_108 = arith.cmpi eq, %iota3A_73, %eq3A_107 : vector<16xi32>
    %jit3A_109 = arith.constant 0 : i32
    %broadcast_in_dim3A_110 = vector.broadcast %jit3A_109 : i32 to vector<16xi32>
    %select_n3A_111 = arith.select %eq3A_108, %get3A_104, %broadcast_in_dim3A_110 : vector<16xi1>, vector<16xi32>
    %reduce_sum3A_112 = arith.constant true
    %reduce_sum3A_113 = vector.broadcast %reduce_sum3A_112 : i1 to vector<16xi1>
    %reduce_sum3A_114 = tpu.scan <sum>, %select_n3A_111 masked %reduce_sum3A_113 : vector<16xi32>, vector<16xi1> -> vector<16xi32>
    %reduce_sum3A_115 = vector.extract %reduce_sum3A_114[15] : i32 from vector<16xi32>
    %add3A_116 = arith.addi %add3A_102, %reduce_sum3A_115 : i32
    %get3A_117 = arith.constant 48 : index
    %get3A_118 = tpu.vector_load %arg10[%get3A_117] {strides = array<i32>} : memref<80xi32, #tpu.memory_space<vmem>>, vector<16xi32>,
    %sub3A_119 = arith.constant 48 : i32
    %sub3A_120 = arith.subi %add3A_72, %sub3A_119 : i32
    %eq3A_121 = vector.broadcast %sub3A_120 : i32 to vector<16xi32>
    %eq3A_122 = arith.cmpi eq, %iota3A_73, %eq3A_121 : vector<16xi32>
    %jit3A_123 = arith.constant 0 : i32
    %broadcast_in_dim3A_124 = vector.broadcast %jit3A_123 : i32 to vector<16xi32>
    %select_n3A_125 = arith.select %eq3A_122, %get3A_118, %broadcast_in_dim3A_124 : vector<16xi1>, vector<16xi32>
    %reduce_sum3A_126 = arith.constant true
    %reduce_sum3A_127 = vector.broadcast %reduce_sum3A_126 : i1 to vector<16xi1>
    %reduce_sum3A_128 = tpu.scan <sum>, %select_n3A_125 masked %reduce_sum3A_127 : vector<16xi32>, vector<16xi1> -> vector<16xi32>
    %reduce_sum3A_129 = vector.extract %reduce_sum3A_128[15] : i32 from vector<16xi32>
    %add3A_130 = arith.addi %add3A_116, %reduce_sum3A_129 : i32
    %get3A_131 = arith.constant 64 : index
    %get3A_132 = tpu.vector_load %arg10[%get3A_131] {strides = array<i32>} : memref<80xi32, #tpu.memory_space<vmem>>, vector<16xi32>,
    %sub3A_133 = arith.constant 64 : i32
    %sub3A_134 = arith.subi %add3A_72, %sub3A_133 : i32
    %eq3A_135 = vector.broadcast %sub3A_134 : i32 to vector<16xi32>
    %eq3A_136 = arith.cmpi eq, %iota3A_73, %eq3A_135 : vector<16xi32>
    %jit3A_137 = arith.constant 0 : i32
    %broadcast_in_dim3A_138 = vector.broadcast %jit3A_137 : i32 to vector<16xi32>
    %select_n3A_139 = arith.select %eq3A_136, %get3A_132, %broadcast_in_dim3A_138 : vector<16xi1>, vector<16xi32>
    %reduce_sum3A_140 = arith.constant true
    %reduce_sum3A_141 = vector.broadcast %reduce_sum3A_140 : i1 to vector<16xi1>
    %reduce_sum3A_142 = tpu.scan <sum>, %select_n3A_139 masked %reduce_sum3A_141 : vector<16xi32>, vector<16xi1> -> vector<16xi32>
    %reduce_sum3A_143 = vector.extract %reduce_sum3A_142[15] : i32 from vector<16xi32>
    %add3A_144 = arith.addi %add3A_130, %reduce_sum3A_143 : i32
    "tpu.region"() ({
      %run_scoped3A = tpu.sem_alloc : memref<!tpu.dma_semaphore, #tpu.memory_space<semaphore_mem>>
      tpu.enqueue_dma source(%arg4 : memref<100000xf32, #tpu.memory_space<hbm>>) target(%arg7 : memref<100000xf32, #tpu.memory_space<vmem>>) target_semaphore(%run_scoped3A : memref<!tpu.dma_semaphore, #tpu.memory_space<semaphore_mem>>)
      tpu.wait_dma2 semaphore(%run_scoped3A : memref<!tpu.dma_semaphore, #tpu.memory_space<semaphore_mem>>) src(%arg4 : memref<100000xf32, #tpu.memory_space<hbm>>) dst(%arg7 : memref<100000xf32, #tpu.memory_space<vmem>>)
      tpu.yield
    }) : () -> ()
    %jit3A_145 = arith.constant 8 : i32
    %div3A = arith.divsi %add3A_70, %jit3A_145 : i32
    %sign3A = arith.constant 0 : i32
    %sign3A_146 = arith.cmpi sgt, %add3A_70, %sign3A : i32
    %sign3A_147 = arith.extui %sign3A_146 : i1 to i32
    %sign3A_148 = arith.constant 0 : i32
    %sign3A_149 = arith.cmpi slt, %add3A_70, %sign3A_148 : i32
    %sign3A_150 = arith.extui %sign3A_149 : i1 to i32
    %sign3A_151 = arith.subi %sign3A_147, %sign3A_150 : i32
    %sign3A_152 = arith.constant 0 : i32
    %sign3A_153 = arith.cmpi sgt, %jit3A_145, %sign3A_152 : i32
    %sign3A_154 = arith.extui %sign3A_153 : i1 to i32
    %sign3A_155 = arith.constant 0 : i32
    %sign3A_156 = arith.cmpi slt, %jit3A_145, %sign3A_155 : i32
    %sign3A_157 = arith.extui %sign3A_156 : i1 to i32
    %sign3A_158 = arith.subi %sign3A_154, %sign3A_157 : i32
    %ne3A = arith.cmpi ne, %sign3A_151, %sign3A_158 : i32
    %rem3A = arith.remsi %add3A_70, %jit3A_145 : i32
    %ne3A_159 = arith.constant 0 : i32
    %ne3A_160 = arith.cmpi ne, %rem3A, %ne3A_159 : i32
    %and3A = arith.andi %ne3A, %ne3A_160 : i1
    %sub3A_161 = arith.constant 1 : i32
    %sub3A_162 = arith.subi %div3A, %sub3A_161 : i32
    %select_n3A_163 = arith.select %and3A, %sub3A_162, %div3A : i32
    %mul3A_164 = arith.constant 8 : i32
    %mul3A_165 = arith.muli %select_n3A_163, %mul3A_164 : i32
    %sub3A_166 = arith.subi %add3A_144, %mul3A_165 : i32
    %add3A_167 = arith.constant 4095 : i32
    %add3A_168 = arith.addi %sub3A_166, %add3A_167 : i32
    %jit3A_169 = arith.constant 4096 : i32
    %div3A_170 = arith.divsi %add3A_168, %jit3A_169 : i32
    %sign3A_171 = arith.constant 0 : i32
    %sign3A_172 = arith.cmpi sgt, %add3A_168, %sign3A_171 : i32
    %sign3A_173 = arith.extui %sign3A_172 : i1 to i32
    %sign3A_174 = arith.constant 0 : i32
    %sign3A_175 = arith.cmpi slt, %add3A_168, %sign3A_174 : i32
    %sign3A_176 = arith.extui %sign3A_175 : i1 to i32
    %sign3A_177 = arith.subi %sign3A_173, %sign3A_176 : i32
    %sign3A_178 = arith.constant 0 : i32
    %sign3A_179 = arith.cmpi sgt, %jit3A_169, %sign3A_178 : i32
    %sign3A_180 = arith.extui %sign3A_179 : i1 to i32
    %sign3A_181 = arith.constant 0 : i32
    %sign3A_182 = arith.cmpi slt, %jit3A_169, %sign3A_181 : i32
    %sign3A_183 = arith.extui %sign3A_182 : i1 to i32
    %sign3A_184 = arith.subi %sign3A_180, %sign3A_183 : i32
    %ne3A_185 = arith.cmpi ne, %sign3A_177, %sign3A_184 : i32
    %rem3A_186 = arith.remsi %add3A_168, %jit3A_169 : i32
    %ne3A_187 = arith.constant 0 : i32
    %ne3A_188 = arith.cmpi ne, %rem3A_186, %ne3A_187 : i32
    %and3A_189 = arith.andi %ne3A_185, %ne3A_188 : i1
    %sub3A_190 = arith.constant 1 : i32
    %sub3A_191 = arith.subi %div3A_170, %sub3A_190 : i32
    %select_n3A_192 = arith.select %and3A_189, %sub3A_191, %div3A_170 : i32
    %while3A = arith.constant 0 : i32
    %while3A_193 = arith.constant 0 : i32
    %while3A_194 = arith.subi %select_n3A_192, %while3A : i32
    %while3A_195 = arith.addi %while3A, %while3A_194 : i32
    %while3A_196 = arith.constant 1 : i32
    %while3A_197 = arith.divsi %while3A_194, %while3A_196 : i32
    %while3A_198 = arith.muli %while3A_197, %while3A_196 : i32
    %while3A_199 = arith.addi %while3A, %while3A_198 : i32
    %while3A_200 = arith.constant 1 : i32
    %while3A_201 = scf.for %while3A_422 = %while3A to %while3A_199 step %while3A_200 iter_args(%while3A_423 = %while3A_193) -> (i32)  : i32 {
      %mul3A_424 = arith.constant 4096 : i32
      %mul3A_425 = arith.muli %while3A_422, %mul3A_424 : i32
      %add3A_426 = arith.addi %mul3A_165, %mul3A_425 : i32
      %multiple_of3A_427 = tpu.assume_multiple %add3A_426, 8 : i32
      "tpu.region"() ({
        %run_scoped3A = tpu.sem_alloc : memref<!tpu.dma_semaphore, #tpu.memory_space<semaphore_mem>>
        %dma_start3A = tpu.memref_slice %arg2[%multiple_of3A_427] : memref<504112xi32, #tpu.memory_space<hbm>> -> memref<4112xi32, #tpu.memory_space<hbm>>
        %dma_start3A_435 = tpu.memref_slice %arg2[%multiple_of3A_427] : memref<504112xi32, #tpu.memory_space<hbm>> -> memref<4112xi32, #tpu.memory_space<hbm>>
        tpu.enqueue_dma source(%dma_start3A_435 : memref<4112xi32, #tpu.memory_space<hbm>>) target(%arg8 : memref<4112xi32, #tpu.memory_space<vmem>>) target_semaphore(%run_scoped3A : memref<!tpu.dma_semaphore, #tpu.memory_space<semaphore_mem>>)
        %dma_wait3A = tpu.memref_slice %arg2[%multiple_of3A_427] : memref<504112xi32, #tpu.memory_space<hbm>> -> memref<4112xi32, #tpu.memory_space<hbm>>
        %dma_wait3A_436 = tpu.memref_slice %arg2[%multiple_of3A_427] : memref<504112xi32, #tpu.memory_space<hbm>> -> memref<4112xi32, #tpu.memory_space<hbm>>
        tpu.wait_dma2 semaphore(%run_scoped3A : memref<!tpu.dma_semaphore, #tpu.memory_space<semaphore_mem>>) src(%dma_wait3A_436 : memref<4112xi32, #tpu.memory_space<hbm>>) dst(%arg8 : memref<4112xi32, #tpu.memory_space<vmem>>)
        tpu.yield
      }) : () -> ()
      "tpu.region"() ({
        %run_scoped3A = tpu.sem_alloc : memref<!tpu.dma_semaphore, #tpu.memory_space<semaphore_mem>>
        %dma_start3A = tpu.memref_slice %arg3[%multiple_of3A_427] : memref<504112xf32, #tpu.memory_space<hbm>> -> memref<4096xf32, #tpu.memory_space<hbm>>
        %dma_start3A_435 = tpu.memref_slice %arg3[%multiple_of3A_427] : memref<504112xf32, #tpu.memory_space<hbm>> -> memref<4096xf32, #tpu.memory_space<hbm>>
        tpu.enqueue_dma source(%dma_start3A_435 : memref<4096xf32, #tpu.memory_space<hbm>>) target(%arg9 : memref<4096xf32, #tpu.memory_space<vmem>>) target_semaphore(%run_scoped3A : memref<!tpu.dma_semaphore, #tpu.memory_space<semaphore_mem>>)
        %dma_wait3A = tpu.memref_slice %arg3[%multiple_of3A_427] : memref<504112xf32, #tpu.memory_space<hbm>> -> memref<4096xf32, #tpu.memory_space<hbm>>
        %dma_wait3A_436 = tpu.memref_slice %arg3[%multiple_of3A_427] : memref<504112xf32, #tpu.memory_space<hbm>> -> memref<4096xf32, #tpu.memory_space<hbm>>
        tpu.wait_dma2 semaphore(%run_scoped3A : memref<!tpu.dma_semaphore, #tpu.memory_space<semaphore_mem>>) src(%dma_wait3A_436 : memref<4096xf32, #tpu.memory_space<hbm>>) dst(%arg9 : memref<4096xf32, #tpu.memory_space<vmem>>)
        tpu.yield
      }) : () -> ()
      %scan3A = arith.constant 0 : i32
      %scan3A_428 = arith.constant 0 : i32
      %scan3A_429 = arith.constant 256 : i32
      %scan3A_430 = arith.addi %scan3A_428, %scan3A_429 : i32
      %scan3A_431 = arith.constant 8 : i32
      %scan3A_432 = scf.for %scan3A_435 = %scan3A_428 to %scan3A_430 step %scan3A_431 iter_args(%scan3A_436 = %scan3A) -> (i32)  : i32 {
        %mul3A_437 = arith.constant 16 : i32
        %mul3A_438 = arith.muli %scan3A_435, %mul3A_437 : i32
        %get3A_439 = arith.index_cast %mul3A_438 : i32 to index
        %get3A_440 = tpu.vector_load %arg8[%get3A_439] {strides = array<i32>} : memref<4112xi32, #tpu.memory_space<vmem>>, vector<16xi32>,
        %mul3A_441 = arith.constant 16 : i32
        %mul3A_442 = arith.muli %scan3A_435, %mul3A_441 : i32
        %add3A_443 = arith.constant 1 : i32
        %add3A_444 = arith.addi %mul3A_442, %add3A_443 : i32
        %get3A_445 = arith.index_cast %add3A_444 : i32 to index
        %get3A_446 = tpu.vector_load %arg8[%get3A_445] {strides = array<i32>} : memref<4112xi32, #tpu.memory_space<vmem>>, vector<16xi32>,
        %mul3A_447 = arith.constant 16 : i32
        %mul3A_448 = arith.muli %scan3A_435, %mul3A_447 : i32
        %get3A_449 = arith.index_cast %mul3A_448 : i32 to index
        %get3A_450 = tpu.vector_load %arg9[%get3A_449] {strides = array<i32>} : memref<4096xf32, #tpu.memory_space<vmem>>, vector<16xf32>,
        %ge3A = vector.broadcast %mul3A_6 : i32 to vector<16xi32>
        %ge3A_451 = arith.cmpi sge, %get3A_440, %ge3A : vector<16xi32>
        %add3A_452 = arith.constant 100000 : i32
        %add3A_453 = arith.addi %mul3A_6, %add3A_452 : i32
        %lt3A = vector.broadcast %add3A_453 : i32 to vector<16xi32>
        %lt3A_454 = arith.cmpi slt, %get3A_440, %lt3A : vector<16xi32>
        %and3A_455 = arith.andi %ge3A_451, %lt3A_454 : vector<16xi1>
        %ne3A_456 = arith.cmpi ne, %get3A_440, %get3A_446 : vector<16xi32>
        %and3A_457 = arith.andi %and3A_455, %ne3A_456 : vector<16xi1>
        %sub3A_458 = vector.broadcast %mul3A_6 : i32 to vector<16xi32>
        %sub3A_459 = arith.subi %get3A_440, %sub3A_458 : vector<16xi32>
        %jit3A_460 = arith.constant 0 : i32
        %broadcast_in_dim3A_461 = vector.broadcast %jit3A_460 : i32 to vector<16xi32>
        %select_n3A_462 = arith.select %and3A_457, %sub3A_459, %broadcast_in_dim3A_461 : vector<16xi1>, vector<16xi32>
        tpu.vector_store_idx %arg7[%select_n3A_462], %get3A_450 masked %and3A_457 {add = true} : memref<100000xf32, #tpu.memory_space<vmem>>[vector<16xi32>], vector<16xf32>, vector<16xi1>
        %scan3A_463 = arith.constant 0 : i32
        %scan3A_464 = arith.constant 1 : i32
        %scan3A_465 = arith.addi %scan3A_435, %scan3A_464 : i32
        %mul3A_466 = arith.constant 16 : i32
        %mul3A_467 = arith.muli %scan3A_465, %mul3A_466 : i32
        %get3A_468 = arith.index_cast %mul3A_467 : i32 to index
        %get3A_469 = tpu.vector_load %arg8[%get3A_468] {strides = array<i32>} : memref<4112xi32, #tpu.memory_space<vmem>>, vector<16xi32>,
        %mul3A_470 = arith.constant 16 : i32
        %mul3A_471 = arith.muli %scan3A_465, %mul3A_470 : i32
        %add3A_472 = arith.constant 1 : i32
        %add3A_473 = arith.addi %mul3A_471, %add3A_472 : i32
        %get3A_474 = arith.index_cast %add3A_473 : i32 to index
        %get3A_475 = tpu.vector_load %arg8[%get3A_474] {strides = array<i32>} : memref<4112xi32, #tpu.memory_space<vmem>>, vector<16xi32>,
        %mul3A_476 = arith.constant 16 : i32
        %mul3A_477 = arith.muli %scan3A_465, %mul3A_476 : i32
        %get3A_478 = arith.index_cast %mul3A_477 : i32 to index
        %get3A_479 = tpu.vector_load %arg9[%get3A_478] {strides = array<i32>} : memref<4096xf32, #tpu.memory_space<vmem>>, vector<16xf32>,
        %ge3A_480 = vector.broadcast %mul3A_6 : i32 to vector<16xi32>
        %ge3A_481 = arith.cmpi sge, %get3A_469, %ge3A_480 : vector<16xi32>
        %add3A_482 = arith.constant 100000 : i32
        %add3A_483 = arith.addi %mul3A_6, %add3A_482 : i32
        %lt3A_484 = vector.broadcast %add3A_483 : i32 to vector<16xi32>
        %lt3A_485 = arith.cmpi slt, %get3A_469, %lt3A_484 : vector<16xi32>
        %and3A_486 = arith.andi %ge3A_481, %lt3A_485 : vector<16xi1>
        %ne3A_487 = arith.cmpi ne, %get3A_469, %get3A_475 : vector<16xi32>
        %and3A_488 = arith.andi %and3A_486, %ne3A_487 : vector<16xi1>
        %sub3A_489 = vector.broadcast %mul3A_6 : i32 to vector<16xi32>
        %sub3A_490 = arith.subi %get3A_469, %sub3A_489 : vector<16xi32>
        %jit3A_491 = arith.constant 0 : i32
        %broadcast_in_dim3A_492 = vector.broadcast %jit3A_491 : i32 to vector<16xi32>
        %select_n3A_493 = arith.select %and3A_488, %sub3A_490, %broadcast_in_dim3A_492 : vector<16xi1>, vector<16xi32>
        tpu.vector_store_idx %arg7[%select_n3A_493], %get3A_479 masked %and3A_488 {add = true} : memref<100000xf32, #tpu.memory_space<vmem>>[vector<16xi32>], vector<16xf32>, vector<16xi1>
        %scan3A_494 = arith.constant 0 : i32
        %scan3A_495 = arith.constant 2 : i32
        %scan3A_496 = arith.addi %scan3A_435, %scan3A_495 : i32
        %mul3A_497 = arith.constant 16 : i32
        %mul3A_498 = arith.muli %scan3A_496, %mul3A_497 : i32
        %get3A_499 = arith.index_cast %mul3A_498 : i32 to index
        %get3A_500 = tpu.vector_load %arg8[%get3A_499] {strides = array<i32>} : memref<4112xi32, #tpu.memory_space<vmem>>, vector<16xi32>,
        %mul3A_501 = arith.constant 16 : i32
        %mul3A_502 = arith.muli %scan3A_496, %mul3A_501 : i32
        %add3A_503 = arith.constant 1 : i32
        %add3A_504 = arith.addi %mul3A_502, %add3A_503 : i32
        %get3A_505 = arith.index_cast %add3A_504 : i32 to index
        %get3A_506 = tpu.vector_load %arg8[%get3A_505] {strides = array<i32>} : memref<4112xi32, #tpu.memory_space<vmem>>, vector<16xi32>,
        %mul3A_507 = arith.constant 16 : i32
        %mul3A_508 = arith.muli %scan3A_496, %mul3A_507 : i32
        %get3A_509 = arith.index_cast %mul3A_508 : i32 to index
        %get3A_510 = tpu.vector_load %arg9[%get3A_509] {strides = array<i32>} : memref<4096xf32, #tpu.memory_space<vmem>>, vector<16xf32>,
        %ge3A_511 = vector.broadcast %mul3A_6 : i32 to vector<16xi32>
        %ge3A_512 = arith.cmpi sge, %get3A_500, %ge3A_511 : vector<16xi32>
        %add3A_513 = arith.constant 100000 : i32
        %add3A_514 = arith.addi %mul3A_6, %add3A_513 : i32
        %lt3A_515 = vector.broadcast %add3A_514 : i32 to vector<16xi32>
        %lt3A_516 = arith.cmpi slt, %get3A_500, %lt3A_515 : vector<16xi32>
        %and3A_517 = arith.andi %ge3A_512, %lt3A_516 : vector<16xi1>
        %ne3A_518 = arith.cmpi ne, %get3A_500, %get3A_506 : vector<16xi32>
        %and3A_519 = arith.andi %and3A_517, %ne3A_518 : vector<16xi1>
        %sub3A_520 = vector.broadcast %mul3A_6 : i32 to vector<16xi32>
        %sub3A_521 = arith.subi %get3A_500, %sub3A_520 : vector<16xi32>
        %jit3A_522 = arith.constant 0 : i32
        %broadcast_in_dim3A_523 = vector.broadcast %jit3A_522 : i32 to vector<16xi32>
        %select_n3A_524 = arith.select %and3A_519, %sub3A_521, %broadcast_in_dim3A_523 : vector<16xi1>, vector<16xi32>
        tpu.vector_store_idx %arg7[%select_n3A_524], %get3A_510 masked %and3A_519 {add = true} : memref<100000xf32, #tpu.memory_space<vmem>>[vector<16xi32>], vector<16xf32>, vector<16xi1>
        %scan3A_525 = arith.constant 0 : i32
        %scan3A_526 = arith.constant 3 : i32
        %scan3A_527 = arith.addi %scan3A_435, %scan3A_526 : i32
        %mul3A_528 = arith.constant 16 : i32
        %mul3A_529 = arith.muli %scan3A_527, %mul3A_528 : i32
        %get3A_530 = arith.index_cast %mul3A_529 : i32 to index
        %get3A_531 = tpu.vector_load %arg8[%get3A_530] {strides = array<i32>} : memref<4112xi32, #tpu.memory_space<vmem>>, vector<16xi32>,
        %mul3A_532 = arith.constant 16 : i32
        %mul3A_533 = arith.muli %scan3A_527, %mul3A_532 : i32
        %add3A_534 = arith.constant 1 : i32
        %add3A_535 = arith.addi %mul3A_533, %add3A_534 : i32
        %get3A_536 = arith.index_cast %add3A_535 : i32 to index
        %get3A_537 = tpu.vector_load %arg8[%get3A_536] {strides = array<i32>} : memref<4112xi32, #tpu.memory_space<vmem>>, vector<16xi32>,
        %mul3A_538 = arith.constant 16 : i32
        %mul3A_539 = arith.muli %scan3A_527, %mul3A_538 : i32
        %get3A_540 = arith.index_cast %mul3A_539 : i32 to index
        %get3A_541 = tpu.vector_load %arg9[%get3A_540] {strides = array<i32>} : memref<4096xf32, #tpu.memory_space<vmem>>, vector<16xf32>,
        %ge3A_542 = vector.broadcast %mul3A_6 : i32 to vector<16xi32>
        %ge3A_543 = arith.cmpi sge, %get3A_531, %ge3A_542 : vector<16xi32>
        %add3A_544 = arith.constant 100000 : i32
        %add3A_545 = arith.addi %mul3A_6, %add3A_544 : i32
        %lt3A_546 = vector.broadcast %add3A_545 : i32 to vector<16xi32>
        %lt3A_547 = arith.cmpi slt, %get3A_531, %lt3A_546 : vector<16xi32>
        %and3A_548 = arith.andi %ge3A_543, %lt3A_547 : vector<16xi1>
        %ne3A_549 = arith.cmpi ne, %get3A_531, %get3A_537 : vector<16xi32>
        %and3A_550 = arith.andi %and3A_548, %ne3A_549 : vector<16xi1>
        %sub3A_551 = vector.broadcast %mul3A_6 : i32 to vector<16xi32>
        %sub3A_552 = arith.subi %get3A_531, %sub3A_551 : vector<16xi32>
        %jit3A_553 = arith.constant 0 : i32
        %broadcast_in_dim3A_554 = vector.broadcast %jit3A_553 : i32 to vector<16xi32>
        %select_n3A_555 = arith.select %and3A_550, %sub3A_552, %broadcast_in_dim3A_554 : vector<16xi1>, vector<16xi32>
        tpu.vector_store_idx %arg7[%select_n3A_555], %get3A_541 masked %and3A_550 {add = true} : memref<100000xf32, #tpu.memory_space<vmem>>[vector<16xi32>], vector<16xf32>, vector<16xi1>
        %scan3A_556 = arith.constant 0 : i32
        %scan3A_557 = arith.constant 4 : i32
        %scan3A_558 = arith.addi %scan3A_435, %scan3A_557 : i32
        %mul3A_559 = arith.constant 16 : i32
        %mul3A_560 = arith.muli %scan3A_558, %mul3A_559 : i32
        %get3A_561 = arith.index_cast %mul3A_560 : i32 to index
        %get3A_562 = tpu.vector_load %arg8[%get3A_561] {strides = array<i32>} : memref<4112xi32, #tpu.memory_space<vmem>>, vector<16xi32>,
        %mul3A_563 = arith.constant 16 : i32
        %mul3A_564 = arith.muli %scan3A_558, %mul3A_563 : i32
        %add3A_565 = arith.constant 1 : i32
        %add3A_566 = arith.addi %mul3A_564, %add3A_565 : i32
        %get3A_567 = arith.index_cast %add3A_566 : i32 to index
        %get3A_568 = tpu.vector_load %arg8[%get3A_567] {strides = array<i32>} : memref<4112xi32, #tpu.memory_space<vmem>>, vector<16xi32>,
        %mul3A_569 = arith.constant 16 : i32
        %mul3A_570 = arith.muli %scan3A_558, %mul3A_569 : i32
        %get3A_571 = arith.index_cast %mul3A_570 : i32 to index
        %get3A_572 = tpu.vector_load %arg9[%get3A_571] {strides = array<i32>} : memref<4096xf32, #tpu.memory_space<vmem>>, vector<16xf32>,
        %ge3A_573 = vector.broadcast %mul3A_6 : i32 to vector<16xi32>
        %ge3A_574 = arith.cmpi sge, %get3A_562, %ge3A_573 : vector<16xi32>
        %add3A_575 = arith.constant 100000 : i32
        %add3A_576 = arith.addi %mul3A_6, %add3A_575 : i32
        %lt3A_577 = vector.broadcast %add3A_576 : i32 to vector<16xi32>
        %lt3A_578 = arith.cmpi slt, %get3A_562, %lt3A_577 : vector<16xi32>
        %and3A_579 = arith.andi %ge3A_574, %lt3A_578 : vector<16xi1>
        %ne3A_580 = arith.cmpi ne, %get3A_562, %get3A_568 : vector<16xi32>
        %and3A_581 = arith.andi %and3A_579, %ne3A_580 : vector<16xi1>
        %sub3A_582 = vector.broadcast %mul3A_6 : i32 to vector<16xi32>
        %sub3A_583 = arith.subi %get3A_562, %sub3A_582 : vector<16xi32>
        %jit3A_584 = arith.constant 0 : i32
        %broadcast_in_dim3A_585 = vector.broadcast %jit3A_584 : i32 to vector<16xi32>
        %select_n3A_586 = arith.select %and3A_581, %sub3A_583, %broadcast_in_dim3A_585 : vector<16xi1>, vector<16xi32>
        tpu.vector_store_idx %arg7[%select_n3A_586], %get3A_572 masked %and3A_581 {add = true} : memref<100000xf32, #tpu.memory_space<vmem>>[vector<16xi32>], vector<16xf32>, vector<16xi1>
        %scan3A_587 = arith.constant 0 : i32
        %scan3A_588 = arith.constant 5 : i32
        %scan3A_589 = arith.addi %scan3A_435, %scan3A_588 : i32
        %mul3A_590 = arith.constant 16 : i32
        %mul3A_591 = arith.muli %scan3A_589, %mul3A_590 : i32
        %get3A_592 = arith.index_cast %mul3A_591 : i32 to index
        %get3A_593 = tpu.vector_load %arg8[%get3A_592] {strides = array<i32>} : memref<4112xi32, #tpu.memory_space<vmem>>, vector<16xi32>,
        %mul3A_594 = arith.constant 16 : i32
        %mul3A_595 = arith.muli %scan3A_589, %mul3A_594 : i32
        %add3A_596 = arith.constant 1 : i32
        %add3A_597 = arith.addi %mul3A_595, %add3A_596 : i32
        %get3A_598 = arith.index_cast %add3A_597 : i32 to index
        %get3A_599 = tpu.vector_load %arg8[%get3A_598] {strides = array<i32>} : memref<4112xi32, #tpu.memory_space<vmem>>, vector<16xi32>,
        %mul3A_600 = arith.constant 16 : i32
        %mul3A_601 = arith.muli %scan3A_589, %mul3A_600 : i32
        %get3A_602 = arith.index_cast %mul3A_601 : i32 to index
        %get3A_603 = tpu.vector_load %arg9[%get3A_602] {strides = array<i32>} : memref<4096xf32, #tpu.memory_space<vmem>>, vector<16xf32>,
        %ge3A_604 = vector.broadcast %mul3A_6 : i32 to vector<16xi32>
        %ge3A_605 = arith.cmpi sge, %get3A_593, %ge3A_604 : vector<16xi32>
        %add3A_606 = arith.constant 100000 : i32
        %add3A_607 = arith.addi %mul3A_6, %add3A_606 : i32
        %lt3A_608 = vector.broadcast %add3A_607 : i32 to vector<16xi32>
        %lt3A_609 = arith.cmpi slt, %get3A_593, %lt3A_608 : vector<16xi32>
        %and3A_610 = arith.andi %ge3A_605, %lt3A_609 : vector<16xi1>
        %ne3A_611 = arith.cmpi ne, %get3A_593, %get3A_599 : vector<16xi32>
        %and3A_612 = arith.andi %and3A_610, %ne3A_611 : vector<16xi1>
        %sub3A_613 = vector.broadcast %mul3A_6 : i32 to vector<16xi32>
        %sub3A_614 = arith.subi %get3A_593, %sub3A_613 : vector<16xi32>
        %jit3A_615 = arith.constant 0 : i32
        %broadcast_in_dim3A_616 = vector.broadcast %jit3A_615 : i32 to vector<16xi32>
        %select_n3A_617 = arith.select %and3A_612, %sub3A_614, %broadcast_in_dim3A_616 : vector<16xi1>, vector<16xi32>
        tpu.vector_store_idx %arg7[%select_n3A_617], %get3A_603 masked %and3A_612 {add = true} : memref<100000xf32, #tpu.memory_space<vmem>>[vector<16xi32>], vector<16xf32>, vector<16xi1>
        %scan3A_618 = arith.constant 0 : i32
        %scan3A_619 = arith.constant 6 : i32
        %scan3A_620 = arith.addi %scan3A_435, %scan3A_619 : i32
        %mul3A_621 = arith.constant 16 : i32
        %mul3A_622 = arith.muli %scan3A_620, %mul3A_621 : i32
        %get3A_623 = arith.index_cast %mul3A_622 : i32 to index
        %get3A_624 = tpu.vector_load %arg8[%get3A_623] {strides = array<i32>} : memref<4112xi32, #tpu.memory_space<vmem>>, vector<16xi32>,
        %mul3A_625 = arith.constant 16 : i32
        %mul3A_626 = arith.muli %scan3A_620, %mul3A_625 : i32
        %add3A_627 = arith.constant 1 : i32
        %add3A_628 = arith.addi %mul3A_626, %add3A_627 : i32
        %get3A_629 = arith.index_cast %add3A_628 : i32 to index
        %get3A_630 = tpu.vector_load %arg8[%get3A_629] {strides = array<i32>} : memref<4112xi32, #tpu.memory_space<vmem>>, vector<16xi32>,
        %mul3A_631 = arith.constant 16 : i32
        %mul3A_632 = arith.muli %scan3A_620, %mul3A_631 : i32
        %get3A_633 = arith.index_cast %mul3A_632 : i32 to index
        %get3A_634 = tpu.vector_load %arg9[%get3A_633] {strides = array<i32>} : memref<4096xf32, #tpu.memory_space<vmem>>, vector<16xf32>,
        %ge3A_635 = vector.broadcast %mul3A_6 : i32 to vector<16xi32>
        %ge3A_636 = arith.cmpi sge, %get3A_624, %ge3A_635 : vector<16xi32>
        %add3A_637 = arith.constant 100000 : i32
        %add3A_638 = arith.addi %mul3A_6, %add3A_637 : i32
        %lt3A_639 = vector.broadcast %add3A_638 : i32 to vector<16xi32>
        %lt3A_640 = arith.cmpi slt, %get3A_624, %lt3A_639 : vector<16xi32>
        %and3A_641 = arith.andi %ge3A_636, %lt3A_640 : vector<16xi1>
        %ne3A_642 = arith.cmpi ne, %get3A_624, %get3A_630 : vector<16xi32>
        %and3A_643 = arith.andi %and3A_641, %ne3A_642 : vector<16xi1>
        %sub3A_644 = vector.broadcast %mul3A_6 : i32 to vector<16xi32>
        %sub3A_645 = arith.subi %get3A_624, %sub3A_644 : vector<16xi32>
        %jit3A_646 = arith.constant 0 : i32
        %broadcast_in_dim3A_647 = vector.broadcast %jit3A_646 : i32 to vector<16xi32>
        %select_n3A_648 = arith.select %and3A_643, %sub3A_645, %broadcast_in_dim3A_647 : vector<16xi1>, vector<16xi32>
        tpu.vector_store_idx %arg7[%select_n3A_648], %get3A_634 masked %and3A_643 {add = true} : memref<100000xf32, #tpu.memory_space<vmem>>[vector<16xi32>], vector<16xf32>, vector<16xi1>
        %scan3A_649 = arith.constant 0 : i32
        %scan3A_650 = arith.constant 7 : i32
        %scan3A_651 = arith.addi %scan3A_435, %scan3A_650 : i32
        %mul3A_652 = arith.constant 16 : i32
        %mul3A_653 = arith.muli %scan3A_651, %mul3A_652 : i32
        %get3A_654 = arith.index_cast %mul3A_653 : i32 to index
        %get3A_655 = tpu.vector_load %arg8[%get3A_654] {strides = array<i32>} : memref<4112xi32, #tpu.memory_space<vmem>>, vector<16xi32>,
        %mul3A_656 = arith.constant 16 : i32
        %mul3A_657 = arith.muli %scan3A_651, %mul3A_656 : i32
        %add3A_658 = arith.constant 1 : i32
        %add3A_659 = arith.addi %mul3A_657, %add3A_658 : i32
        %get3A_660 = arith.index_cast %add3A_659 : i32 to index
        %get3A_661 = tpu.vector_load %arg8[%get3A_660] {strides = array<i32>} : memref<4112xi32, #tpu.memory_space<vmem>>, vector<16xi32>,
        %mul3A_662 = arith.constant 16 : i32
        %mul3A_663 = arith.muli %scan3A_651, %mul3A_662 : i32
        %get3A_664 = arith.index_cast %mul3A_663 : i32 to index
        %get3A_665 = tpu.vector_load %arg9[%get3A_664] {strides = array<i32>} : memref<4096xf32, #tpu.memory_space<vmem>>, vector<16xf32>,
        %ge3A_666 = vector.broadcast %mul3A_6 : i32 to vector<16xi32>
        %ge3A_667 = arith.cmpi sge, %get3A_655, %ge3A_666 : vector<16xi32>
        %add3A_668 = arith.constant 100000 : i32
        %add3A_669 = arith.addi %mul3A_6, %add3A_668 : i32
        %lt3A_670 = vector.broadcast %add3A_669 : i32 to vector<16xi32>
        %lt3A_671 = arith.cmpi slt, %get3A_655, %lt3A_670 : vector<16xi32>
        %and3A_672 = arith.andi %ge3A_667, %lt3A_671 : vector<16xi1>
        %ne3A_673 = arith.cmpi ne, %get3A_655, %get3A_661 : vector<16xi32>
        %and3A_674 = arith.andi %and3A_672, %ne3A_673 : vector<16xi1>
        %sub3A_675 = vector.broadcast %mul3A_6 : i32 to vector<16xi32>
        %sub3A_676 = arith.subi %get3A_655, %sub3A_675 : vector<16xi32>
        %jit3A_677 = arith.constant 0 : i32
        %broadcast_in_dim3A_678 = vector.broadcast %jit3A_677 : i32 to vector<16xi32>
        %select_n3A_679 = arith.select %and3A_674, %sub3A_676, %broadcast_in_dim3A_678 : vector<16xi1>, vector<16xi32>
        tpu.vector_store_idx %arg7[%select_n3A_679], %get3A_665 masked %and3A_674 {add = true} : memref<100000xf32, #tpu.memory_space<vmem>>[vector<16xi32>], vector<16xf32>, vector<16xi1>
        %scan3A_680 = arith.constant 0 : i32
        scf.yield %scan3A_680 : i32
      }
      %scan3A_433 = arith.constant 256 : i32
      %while3A_434 = arith.constant 0 : i32
      scf.yield %while3A_434 : i32
    }
    %while3A_202 = arith.constant 1 : i32
    %while3A_203 = scf.for %while3A_422 = %while3A_199 to %while3A_195 step %while3A_202 iter_args(%while3A_423 = %while3A_201) -> (i32)  : i32 {
      %mul3A_424 = arith.constant 4096 : i32
      %mul3A_425 = arith.muli %while3A_422, %mul3A_424 : i32
      %add3A_426 = arith.addi %mul3A_165, %mul3A_425 : i32
      %multiple_of3A_427 = tpu.assume_multiple %add3A_426, 8 : i32
      "tpu.region"() ({
        %run_scoped3A = tpu.sem_alloc : memref<!tpu.dma_semaphore, #tpu.memory_space<semaphore_mem>>
        %dma_start3A = tpu.memref_slice %arg2[%multiple_of3A_427] : memref<504112xi32, #tpu.memory_space<hbm>> -> memref<4112xi32, #tpu.memory_space<hbm>>
        %dma_start3A_435 = tpu.memref_slice %arg2[%multiple_of3A_427] : memref<504112xi32, #tpu.memory_space<hbm>> -> memref<4112xi32, #tpu.memory_space<hbm>>
        tpu.enqueue_dma source(%dma_start3A_435 : memref<4112xi32, #tpu.memory_space<hbm>>) target(%arg8 : memref<4112xi32, #tpu.memory_space<vmem>>) target_semaphore(%run_scoped3A : memref<!tpu.dma_semaphore, #tpu.memory_space<semaphore_mem>>)
        %dma_wait3A = tpu.memref_slice %arg2[%multiple_of3A_427] : memref<504112xi32, #tpu.memory_space<hbm>> -> memref<4112xi32, #tpu.memory_space<hbm>>
        %dma_wait3A_436 = tpu.memref_slice %arg2[%multiple_of3A_427] : memref<504112xi32, #tpu.memory_space<hbm>> -> memref<4112xi32, #tpu.memory_space<hbm>>
        tpu.wait_dma2 semaphore(%run_scoped3A : memref<!tpu.dma_semaphore, #tpu.memory_space<semaphore_mem>>) src(%dma_wait3A_436 : memref<4112xi32, #tpu.memory_space<hbm>>) dst(%arg8 : memref<4112xi32, #tpu.memory_space<vmem>>)
        tpu.yield
      }) : () -> ()
      "tpu.region"() ({
        %run_scoped3A = tpu.sem_alloc : memref<!tpu.dma_semaphore, #tpu.memory_space<semaphore_mem>>
        %dma_start3A = tpu.memref_slice %arg3[%multiple_of3A_427] : memref<504112xf32, #tpu.memory_space<hbm>> -> memref<4096xf32, #tpu.memory_space<hbm>>
        %dma_start3A_435 = tpu.memref_slice %arg3[%multiple_of3A_427] : memref<504112xf32, #tpu.memory_space<hbm>> -> memref<4096xf32, #tpu.memory_space<hbm>>
        tpu.enqueue_dma source(%dma_start3A_435 : memref<4096xf32, #tpu.memory_space<hbm>>) target(%arg9 : memref<4096xf32, #tpu.memory_space<vmem>>) target_semaphore(%run_scoped3A : memref<!tpu.dma_semaphore, #tpu.memory_space<semaphore_mem>>)
        %dma_wait3A = tpu.memref_slice %arg3[%multiple_of3A_427] : memref<504112xf32, #tpu.memory_space<hbm>> -> memref<4096xf32, #tpu.memory_space<hbm>>
        %dma_wait3A_436 = tpu.memref_slice %arg3[%multiple_of3A_427] : memref<504112xf32, #tpu.memory_space<hbm>> -> memref<4096xf32, #tpu.memory_space<hbm>>
        tpu.wait_dma2 semaphore(%run_scoped3A : memref<!tpu.dma_semaphore, #tpu.memory_space<semaphore_mem>>) src(%dma_wait3A_436 : memref<4096xf32, #tpu.memory_space<hbm>>) dst(%arg9 : memref<4096xf32, #tpu.memory_space<vmem>>)
        tpu.yield
      }) : () -> ()
      %scan3A = arith.constant 0 : i32
      %scan3A_428 = arith.constant 0 : i32
      %scan3A_429 = arith.constant 256 : i32
      %scan3A_430 = arith.addi %scan3A_428, %scan3A_429 : i32
      %scan3A_431 = arith.constant 8 : i32
      %scan3A_432 = scf.for %scan3A_435 = %scan3A_428 to %scan3A_430 step %scan3A_431 iter_args(%scan3A_436 = %scan3A) -> (i32)  : i32 {
        %mul3A_437 = arith.constant 16 : i32
        %mul3A_438 = arith.muli %scan3A_435, %mul3A_437 : i32
        %get3A_439 = arith.index_cast %mul3A_438 : i32 to index
        %get3A_440 = tpu.vector_load %arg8[%get3A_439] {strides = array<i32>} : memref<4112xi32, #tpu.memory_space<vmem>>, vector<16xi32>,
        %mul3A_441 = arith.constant 16 : i32
        %mul3A_442 = arith.muli %scan3A_435, %mul3A_441 : i32
        %add3A_443 = arith.constant 1 : i32
        %add3A_444 = arith.addi %mul3A_442, %add3A_443 : i32
        %get3A_445 = arith.index_cast %add3A_444 : i32 to index
        %get3A_446 = tpu.vector_load %arg8[%get3A_445] {strides = array<i32>} : memref<4112xi32, #tpu.memory_space<vmem>>, vector<16xi32>,
        %mul3A_447 = arith.constant 16 : i32
        %mul3A_448 = arith.muli %scan3A_435, %mul3A_447 : i32
        %get3A_449 = arith.index_cast %mul3A_448 : i32 to index
        %get3A_450 = tpu.vector_load %arg9[%get3A_449] {strides = array<i32>} : memref<4096xf32, #tpu.memory_space<vmem>>, vector<16xf32>,
        %ge3A = vector.broadcast %mul3A_6 : i32 to vector<16xi32>
        %ge3A_451 = arith.cmpi sge, %get3A_440, %ge3A : vector<16xi32>
        %add3A_452 = arith.constant 100000 : i32
        %add3A_453 = arith.addi %mul3A_6, %add3A_452 : i32
        %lt3A = vector.broadcast %add3A_453 : i32 to vector<16xi32>
        %lt3A_454 = arith.cmpi slt, %get3A_440, %lt3A : vector<16xi32>
        %and3A_455 = arith.andi %ge3A_451, %lt3A_454 : vector<16xi1>
        %ne3A_456 = arith.cmpi ne, %get3A_440, %get3A_446 : vector<16xi32>
        %and3A_457 = arith.andi %and3A_455, %ne3A_456 : vector<16xi1>
        %sub3A_458 = vector.broadcast %mul3A_6 : i32 to vector<16xi32>
        %sub3A_459 = arith.subi %get3A_440, %sub3A_458 : vector<16xi32>
        %jit3A_460 = arith.constant 0 : i32
        %broadcast_in_dim3A_461 = vector.broadcast %jit3A_460 : i32 to vector<16xi32>
        %select_n3A_462 = arith.select %and3A_457, %sub3A_459, %broadcast_in_dim3A_461 : vector<16xi1>, vector<16xi32>
        tpu.vector_store_idx %arg7[%select_n3A_462], %get3A_450 masked %and3A_457 {add = true} : memref<100000xf32, #tpu.memory_space<vmem>>[vector<16xi32>], vector<16xf32>, vector<16xi1>
        %scan3A_463 = arith.constant 0 : i32
        %scan3A_464 = arith.constant 1 : i32
        %scan3A_465 = arith.addi %scan3A_435, %scan3A_464 : i32
        %mul3A_466 = arith.constant 16 : i32
        %mul3A_467 = arith.muli %scan3A_465, %mul3A_466 : i32
        %get3A_468 = arith.index_cast %mul3A_467 : i32 to index
        %get3A_469 = tpu.vector_load %arg8[%get3A_468] {strides = array<i32>} : memref<4112xi32, #tpu.memory_space<vmem>>, vector<16xi32>,
        %mul3A_470 = arith.constant 16 : i32
        %mul3A_471 = arith.muli %scan3A_465, %mul3A_470 : i32
        %add3A_472 = arith.constant 1 : i32
        %add3A_473 = arith.addi %mul3A_471, %add3A_472 : i32
        %get3A_474 = arith.index_cast %add3A_473 : i32 to index
        %get3A_475 = tpu.vector_load %arg8[%get3A_474] {strides = array<i32>} : memref<4112xi32, #tpu.memory_space<vmem>>, vector<16xi32>,
        %mul3A_476 = arith.constant 16 : i32
        %mul3A_477 = arith.muli %scan3A_465, %mul3A_476 : i32
        %get3A_478 = arith.index_cast %mul3A_477 : i32 to index
        %get3A_479 = tpu.vector_load %arg9[%get3A_478] {strides = array<i32>} : memref<4096xf32, #tpu.memory_space<vmem>>, vector<16xf32>,
        %ge3A_480 = vector.broadcast %mul3A_6 : i32 to vector<16xi32>
        %ge3A_481 = arith.cmpi sge, %get3A_469, %ge3A_480 : vector<16xi32>
        %add3A_482 = arith.constant 100000 : i32
        %add3A_483 = arith.addi %mul3A_6, %add3A_482 : i32
        %lt3A_484 = vector.broadcast %add3A_483 : i32 to vector<16xi32>
        %lt3A_485 = arith.cmpi slt, %get3A_469, %lt3A_484 : vector<16xi32>
        %and3A_486 = arith.andi %ge3A_481, %lt3A_485 : vector<16xi1>
        %ne3A_487 = arith.cmpi ne, %get3A_469, %get3A_475 : vector<16xi32>
        %and3A_488 = arith.andi %and3A_486, %ne3A_487 : vector<16xi1>
        %sub3A_489 = vector.broadcast %mul3A_6 : i32 to vector<16xi32>
        %sub3A_490 = arith.subi %get3A_469, %sub3A_489 : vector<16xi32>
        %jit3A_491 = arith.constant 0 : i32
        %broadcast_in_dim3A_492 = vector.broadcast %jit3A_491 : i32 to vector<16xi32>
        %select_n3A_493 = arith.select %and3A_488, %sub3A_490, %broadcast_in_dim3A_492 : vector<16xi1>, vector<16xi32>
        tpu.vector_store_idx %arg7[%select_n3A_493], %get3A_479 masked %and3A_488 {add = true} : memref<100000xf32, #tpu.memory_space<vmem>>[vector<16xi32>], vector<16xf32>, vector<16xi1>
        %scan3A_494 = arith.constant 0 : i32
        %scan3A_495 = arith.constant 2 : i32
        %scan3A_496 = arith.addi %scan3A_435, %scan3A_495 : i32
        %mul3A_497 = arith.constant 16 : i32
        %mul3A_498 = arith.muli %scan3A_496, %mul3A_497 : i32
        %get3A_499 = arith.index_cast %mul3A_498 : i32 to index
        %get3A_500 = tpu.vector_load %arg8[%get3A_499] {strides = array<i32>} : memref<4112xi32, #tpu.memory_space<vmem>>, vector<16xi32>,
        %mul3A_501 = arith.constant 16 : i32
        %mul3A_502 = arith.muli %scan3A_496, %mul3A_501 : i32
        %add3A_503 = arith.constant 1 : i32
        %add3A_504 = arith.addi %mul3A_502, %add3A_503 : i32
        %get3A_505 = arith.index_cast %add3A_504 : i32 to index
        %get3A_506 = tpu.vector_load %arg8[%get3A_505] {strides = array<i32>} : memref<4112xi32, #tpu.memory_space<vmem>>, vector<16xi32>,
        %mul3A_507 = arith.constant 16 : i32
        %mul3A_508 = arith.muli %scan3A_496, %mul3A_507 : i32
        %get3A_509 = arith.index_cast %mul3A_508 : i32 to index
        %get3A_510 = tpu.vector_load %arg9[%get3A_509] {strides = array<i32>} : memref<4096xf32, #tpu.memory_space<vmem>>, vector<16xf32>,
        %ge3A_511 = vector.broadcast %mul3A_6 : i32 to vector<16xi32>
        %ge3A_512 = arith.cmpi sge, %get3A_500, %ge3A_511 : vector<16xi32>
        %add3A_513 = arith.constant 100000 : i32
        %add3A_514 = arith.addi %mul3A_6, %add3A_513 : i32
        %lt3A_515 = vector.broadcast %add3A_514 : i32 to vector<16xi32>
        %lt3A_516 = arith.cmpi slt, %get3A_500, %lt3A_515 : vector<16xi32>
        %and3A_517 = arith.andi %ge3A_512, %lt3A_516 : vector<16xi1>
        %ne3A_518 = arith.cmpi ne, %get3A_500, %get3A_506 : vector<16xi32>
        %and3A_519 = arith.andi %and3A_517, %ne3A_518 : vector<16xi1>
        %sub3A_520 = vector.broadcast %mul3A_6 : i32 to vector<16xi32>
        %sub3A_521 = arith.subi %get3A_500, %sub3A_520 : vector<16xi32>
        %jit3A_522 = arith.constant 0 : i32
        %broadcast_in_dim3A_523 = vector.broadcast %jit3A_522 : i32 to vector<16xi32>
        %select_n3A_524 = arith.select %and3A_519, %sub3A_521, %broadcast_in_dim3A_523 : vector<16xi1>, vector<16xi32>
        tpu.vector_store_idx %arg7[%select_n3A_524], %get3A_510 masked %and3A_519 {add = true} : memref<100000xf32, #tpu.memory_space<vmem>>[vector<16xi32>], vector<16xf32>, vector<16xi1>
        %scan3A_525 = arith.constant 0 : i32
        %scan3A_526 = arith.constant 3 : i32
        %scan3A_527 = arith.addi %scan3A_435, %scan3A_526 : i32
        %mul3A_528 = arith.constant 16 : i32
        %mul3A_529 = arith.muli %scan3A_527, %mul3A_528 : i32
        %get3A_530 = arith.index_cast %mul3A_529 : i32 to index
        %get3A_531 = tpu.vector_load %arg8[%get3A_530] {strides = array<i32>} : memref<4112xi32, #tpu.memory_space<vmem>>, vector<16xi32>,
        %mul3A_532 = arith.constant 16 : i32
        %mul3A_533 = arith.muli %scan3A_527, %mul3A_532 : i32
        %add3A_534 = arith.constant 1 : i32
        %add3A_535 = arith.addi %mul3A_533, %add3A_534 : i32
        %get3A_536 = arith.index_cast %add3A_535 : i32 to index
        %get3A_537 = tpu.vector_load %arg8[%get3A_536] {strides = array<i32>} : memref<4112xi32, #tpu.memory_space<vmem>>, vector<16xi32>,
        %mul3A_538 = arith.constant 16 : i32
        %mul3A_539 = arith.muli %scan3A_527, %mul3A_538 : i32
        %get3A_540 = arith.index_cast %mul3A_539 : i32 to index
        %get3A_541 = tpu.vector_load %arg9[%get3A_540] {strides = array<i32>} : memref<4096xf32, #tpu.memory_space<vmem>>, vector<16xf32>,
        %ge3A_542 = vector.broadcast %mul3A_6 : i32 to vector<16xi32>
        %ge3A_543 = arith.cmpi sge, %get3A_531, %ge3A_542 : vector<16xi32>
        %add3A_544 = arith.constant 100000 : i32
        %add3A_545 = arith.addi %mul3A_6, %add3A_544 : i32
        %lt3A_546 = vector.broadcast %add3A_545 : i32 to vector<16xi32>
        %lt3A_547 = arith.cmpi slt, %get3A_531, %lt3A_546 : vector<16xi32>
        %and3A_548 = arith.andi %ge3A_543, %lt3A_547 : vector<16xi1>
        %ne3A_549 = arith.cmpi ne, %get3A_531, %get3A_537 : vector<16xi32>
        %and3A_550 = arith.andi %and3A_548, %ne3A_549 : vector<16xi1>
        %sub3A_551 = vector.broadcast %mul3A_6 : i32 to vector<16xi32>
        %sub3A_552 = arith.subi %get3A_531, %sub3A_551 : vector<16xi32>
        %jit3A_553 = arith.constant 0 : i32
        %broadcast_in_dim3A_554 = vector.broadcast %jit3A_553 : i32 to vector<16xi32>
        %select_n3A_555 = arith.select %and3A_550, %sub3A_552, %broadcast_in_dim3A_554 : vector<16xi1>, vector<16xi32>
        tpu.vector_store_idx %arg7[%select_n3A_555], %get3A_541 masked %and3A_550 {add = true} : memref<100000xf32, #tpu.memory_space<vmem>>[vector<16xi32>], vector<16xf32>, vector<16xi1>
        %scan3A_556 = arith.constant 0 : i32
        %scan3A_557 = arith.constant 4 : i32
        %scan3A_558 = arith.addi %scan3A_435, %scan3A_557 : i32
        %mul3A_559 = arith.constant 16 : i32
        %mul3A_560 = arith.muli %scan3A_558, %mul3A_559 : i32
        %get3A_561 = arith.index_cast %mul3A_560 : i32 to index
        %get3A_562 = tpu.vector_load %arg8[%get3A_561] {strides = array<i32>} : memref<4112xi32, #tpu.memory_space<vmem>>, vector<16xi32>,
        %mul3A_563 = arith.constant 16 : i32
        %mul3A_564 = arith.muli %scan3A_558, %mul3A_563 : i32
        %add3A_565 = arith.constant 1 : i32
        %add3A_566 = arith.addi %mul3A_564, %add3A_565 : i32
        %get3A_567 = arith.index_cast %add3A_566 : i32 to index
        %get3A_568 = tpu.vector_load %arg8[%get3A_567] {strides = array<i32>} : memref<4112xi32, #tpu.memory_space<vmem>>, vector<16xi32>,
        %mul3A_569 = arith.constant 16 : i32
        %mul3A_570 = arith.muli %scan3A_558, %mul3A_569 : i32
        %get3A_571 = arith.index_cast %mul3A_570 : i32 to index
        %get3A_572 = tpu.vector_load %arg9[%get3A_571] {strides = array<i32>} : memref<4096xf32, #tpu.memory_space<vmem>>, vector<16xf32>,
        %ge3A_573 = vector.broadcast %mul3A_6 : i32 to vector<16xi32>
        %ge3A_574 = arith.cmpi sge, %get3A_562, %ge3A_573 : vector<16xi32>
        %add3A_575 = arith.constant 100000 : i32
        %add3A_576 = arith.addi %mul3A_6, %add3A_575 : i32
        %lt3A_577 = vector.broadcast %add3A_576 : i32 to vector<16xi32>
        %lt3A_578 = arith.cmpi slt, %get3A_562, %lt3A_577 : vector<16xi32>
        %and3A_579 = arith.andi %ge3A_574, %lt3A_578 : vector<16xi1>
        %ne3A_580 = arith.cmpi ne, %get3A_562, %get3A_568 : vector<16xi32>
        %and3A_581 = arith.andi %and3A_579, %ne3A_580 : vector<16xi1>
        %sub3A_582 = vector.broadcast %mul3A_6 : i32 to vector<16xi32>
        %sub3A_583 = arith.subi %get3A_562, %sub3A_582 : vector<16xi32>
        %jit3A_584 = arith.constant 0 : i32
        %broadcast_in_dim3A_585 = vector.broadcast %jit3A_584 : i32 to vector<16xi32>
        %select_n3A_586 = arith.select %and3A_581, %sub3A_583, %broadcast_in_dim3A_585 : vector<16xi1>, vector<16xi32>
        tpu.vector_store_idx %arg7[%select_n3A_586], %get3A_572 masked %and3A_581 {add = true} : memref<100000xf32, #tpu.memory_space<vmem>>[vector<16xi32>], vector<16xf32>, vector<16xi1>
        %scan3A_587 = arith.constant 0 : i32
        %scan3A_588 = arith.constant 5 : i32
        %scan3A_589 = arith.addi %scan3A_435, %scan3A_588 : i32
        %mul3A_590 = arith.constant 16 : i32
        %mul3A_591 = arith.muli %scan3A_589, %mul3A_590 : i32
        %get3A_592 = arith.index_cast %mul3A_591 : i32 to index
        %get3A_593 = tpu.vector_load %arg8[%get3A_592] {strides = array<i32>} : memref<4112xi32, #tpu.memory_space<vmem>>, vector<16xi32>,
        %mul3A_594 = arith.constant 16 : i32
        %mul3A_595 = arith.muli %scan3A_589, %mul3A_594 : i32
        %add3A_596 = arith.constant 1 : i32
        %add3A_597 = arith.addi %mul3A_595, %add3A_596 : i32
        %get3A_598 = arith.index_cast %add3A_597 : i32 to index
        %get3A_599 = tpu.vector_load %arg8[%get3A_598] {strides = array<i32>} : memref<4112xi32, #tpu.memory_space<vmem>>, vector<16xi32>,
        %mul3A_600 = arith.constant 16 : i32
        %mul3A_601 = arith.muli %scan3A_589, %mul3A_600 : i32
        %get3A_602 = arith.index_cast %mul3A_601 : i32 to index
        %get3A_603 = tpu.vector_load %arg9[%get3A_602] {strides = array<i32>} : memref<4096xf32, #tpu.memory_space<vmem>>, vector<16xf32>,
        %ge3A_604 = vector.broadcast %mul3A_6 : i32 to vector<16xi32>
        %ge3A_605 = arith.cmpi sge, %get3A_593, %ge3A_604 : vector<16xi32>
        %add3A_606 = arith.constant 100000 : i32
        %add3A_607 = arith.addi %mul3A_6, %add3A_606 : i32
        %lt3A_608 = vector.broadcast %add3A_607 : i32 to vector<16xi32>
        %lt3A_609 = arith.cmpi slt, %get3A_593, %lt3A_608 : vector<16xi32>
        %and3A_610 = arith.andi %ge3A_605, %lt3A_609 : vector<16xi1>
        %ne3A_611 = arith.cmpi ne, %get3A_593, %get3A_599 : vector<16xi32>
        %and3A_612 = arith.andi %and3A_610, %ne3A_611 : vector<16xi1>
        %sub3A_613 = vector.broadcast %mul3A_6 : i32 to vector<16xi32>
        %sub3A_614 = arith.subi %get3A_593, %sub3A_613 : vector<16xi32>
        %jit3A_615 = arith.constant 0 : i32
        %broadcast_in_dim3A_616 = vector.broadcast %jit3A_615 : i32 to vector<16xi32>
        %select_n3A_617 = arith.select %and3A_612, %sub3A_614, %broadcast_in_dim3A_616 : vector<16xi1>, vector<16xi32>
        tpu.vector_store_idx %arg7[%select_n3A_617], %get3A_603 masked %and3A_612 {add = true} : memref<100000xf32, #tpu.memory_space<vmem>>[vector<16xi32>], vector<16xf32>, vector<16xi1>
        %scan3A_618 = arith.constant 0 : i32
        %scan3A_619 = arith.constant 6 : i32
        %scan3A_620 = arith.addi %scan3A_435, %scan3A_619 : i32
        %mul3A_621 = arith.constant 16 : i32
        %mul3A_622 = arith.muli %scan3A_620, %mul3A_621 : i32
        %get3A_623 = arith.index_cast %mul3A_622 : i32 to index
        %get3A_624 = tpu.vector_load %arg8[%get3A_623] {strides = array<i32>} : memref<4112xi32, #tpu.memory_space<vmem>>, vector<16xi32>,
        %mul3A_625 = arith.constant 16 : i32
        %mul3A_626 = arith.muli %scan3A_620, %mul3A_625 : i32
        %add3A_627 = arith.constant 1 : i32
        %add3A_628 = arith.addi %mul3A_626, %add3A_627 : i32
        %get3A_629 = arith.index_cast %add3A_628 : i32 to index
        %get3A_630 = tpu.vector_load %arg8[%get3A_629] {strides = array<i32>} : memref<4112xi32, #tpu.memory_space<vmem>>, vector<16xi32>,
        %mul3A_631 = arith.constant 16 : i32
        %mul3A_632 = arith.muli %scan3A_620, %mul3A_631 : i32
        %get3A_633 = arith.index_cast %mul3A_632 : i32 to index
        %get3A_634 = tpu.vector_load %arg9[%get3A_633] {strides = array<i32>} : memref<4096xf32, #tpu.memory_space<vmem>>, vector<16xf32>,
        %ge3A_635 = vector.broadcast %mul3A_6 : i32 to vector<16xi32>
        %ge3A_636 = arith.cmpi sge, %get3A_624, %ge3A_635 : vector<16xi32>
        %add3A_637 = arith.constant 100000 : i32
        %add3A_638 = arith.addi %mul3A_6, %add3A_637 : i32
        %lt3A_639 = vector.broadcast %add3A_638 : i32 to vector<16xi32>
        %lt3A_640 = arith.cmpi slt, %get3A_624, %lt3A_639 : vector<16xi32>
        %and3A_641 = arith.andi %ge3A_636, %lt3A_640 : vector<16xi1>
        %ne3A_642 = arith.cmpi ne, %get3A_624, %get3A_630 : vector<16xi32>
        %and3A_643 = arith.andi %and3A_641, %ne3A_642 : vector<16xi1>
        %sub3A_644 = vector.broadcast %mul3A_6 : i32 to vector<16xi32>
        %sub3A_645 = arith.subi %get3A_624, %sub3A_644 : vector<16xi32>
        %jit3A_646 = arith.constant 0 : i32
        %broadcast_in_dim3A_647 = vector.broadcast %jit3A_646 : i32 to vector<16xi32>
        %select_n3A_648 = arith.select %and3A_643, %sub3A_645, %broadcast_in_dim3A_647 : vector<16xi1>, vector<16xi32>
        tpu.vector_store_idx %arg7[%select_n3A_648], %get3A_634 masked %and3A_643 {add = true} : memref<100000xf32, #tpu.memory_space<vmem>>[vector<16xi32>], vector<16xf32>, vector<16xi1>
        %scan3A_649 = arith.constant 0 : i32
        %scan3A_650 = arith.constant 7 : i32
        %scan3A_651 = arith.addi %scan3A_435, %scan3A_650 : i32
        %mul3A_652 = arith.constant 16 : i32
        %mul3A_653 = arith.muli %scan3A_651, %mul3A_652 : i32
        %get3A_654 = arith.index_cast %mul3A_653 : i32 to index
        %get3A_655 = tpu.vector_load %arg8[%get3A_654] {strides = array<i32>} : memref<4112xi32, #tpu.memory_space<vmem>>, vector<16xi32>,
        %mul3A_656 = arith.constant 16 : i32
        %mul3A_657 = arith.muli %scan3A_651, %mul3A_656 : i32
        %add3A_658 = arith.constant 1 : i32
        %add3A_659 = arith.addi %mul3A_657, %add3A_658 : i32
        %get3A_660 = arith.index_cast %add3A_659 : i32 to index
        %get3A_661 = tpu.vector_load %arg8[%get3A_660] {strides = array<i32>} : memref<4112xi32, #tpu.memory_space<vmem>>, vector<16xi32>,
        %mul3A_662 = arith.constant 16 : i32
        %mul3A_663 = arith.muli %scan3A_651, %mul3A_662 : i32
        %get3A_664 = arith.index_cast %mul3A_663 : i32 to index
        %get3A_665 = tpu.vector_load %arg9[%get3A_664] {strides = array<i32>} : memref<4096xf32, #tpu.memory_space<vmem>>, vector<16xf32>,
        %ge3A_666 = vector.broadcast %mul3A_6 : i32 to vector<16xi32>
        %ge3A_667 = arith.cmpi sge, %get3A_655, %ge3A_666 : vector<16xi32>
        %add3A_668 = arith.constant 100000 : i32
        %add3A_669 = arith.addi %mul3A_6, %add3A_668 : i32
        %lt3A_670 = vector.broadcast %add3A_669 : i32 to vector<16xi32>
        %lt3A_671 = arith.cmpi slt, %get3A_655, %lt3A_670 : vector<16xi32>
        %and3A_672 = arith.andi %ge3A_667, %lt3A_671 : vector<16xi1>
        %ne3A_673 = arith.cmpi ne, %get3A_655, %get3A_661 : vector<16xi32>
        %and3A_674 = arith.andi %and3A_672, %ne3A_673 : vector<16xi1>
        %sub3A_675 = vector.broadcast %mul3A_6 : i32 to vector<16xi32>
        %sub3A_676 = arith.subi %get3A_655, %sub3A_675 : vector<16xi32>
        %jit3A_677 = arith.constant 0 : i32
        %broadcast_in_dim3A_678 = vector.broadcast %jit3A_677 : i32 to vector<16xi32>
        %select_n3A_679 = arith.select %and3A_674, %sub3A_676, %broadcast_in_dim3A_678 : vector<16xi1>, vector<16xi32>
        tpu.vector_store_idx %arg7[%select_n3A_679], %get3A_665 masked %and3A_674 {add = true} : memref<100000xf32, #tpu.memory_space<vmem>>[vector<16xi32>], vector<16xf32>, vector<16xi1>
        %scan3A_680 = arith.constant 0 : i32
        scf.yield %scan3A_680 : i32
      }
      %scan3A_433 = arith.constant 256 : i32
      %while3A_434 = arith.constant 0 : i32
      scf.yield %while3A_434 : i32
    }
    %multiple_of3A = tpu.assume_multiple %mul3A_6, 8 : i32
    "tpu.region"() ({
      %run_scoped3A = tpu.sem_alloc : memref<!tpu.dma_semaphore, #tpu.memory_space<semaphore_mem>>
      %dma_start3A = tpu.memref_slice %arg6[%multiple_of3A] : memref<6400000xf32, #tpu.memory_space<hbm>> -> memref<100000xf32, #tpu.memory_space<hbm>>
      %dma_start3A_422 = tpu.memref_slice %arg6[%multiple_of3A] : memref<6400000xf32, #tpu.memory_space<hbm>> -> memref<100000xf32, #tpu.memory_space<hbm>>
      tpu.enqueue_dma source(%arg7 : memref<100000xf32, #tpu.memory_space<vmem>>) target(%dma_start3A_422 : memref<100000xf32, #tpu.memory_space<hbm>>) target_semaphore(%run_scoped3A : memref<!tpu.dma_semaphore, #tpu.memory_space<semaphore_mem>>)
      %dma_wait3A = tpu.memref_slice %arg6[%multiple_of3A] : memref<6400000xf32, #tpu.memory_space<hbm>> -> memref<100000xf32, #tpu.memory_space<hbm>>
      %dma_wait3A_423 = tpu.memref_slice %arg6[%multiple_of3A] : memref<6400000xf32, #tpu.memory_space<hbm>> -> memref<100000xf32, #tpu.memory_space<hbm>>
      tpu.wait_dma2 semaphore(%run_scoped3A : memref<!tpu.dma_semaphore, #tpu.memory_space<semaphore_mem>>) src(%arg7 : memref<100000xf32, #tpu.memory_space<vmem>>) dst(%dma_wait3A_423 : memref<100000xf32, #tpu.memory_space<hbm>>)
      tpu.yield
    }) : () -> ()
    %mul3A_204 = arith.constant 2 : i32
    %mul3A_205 = arith.muli %add3A, %mul3A_204 : i32
    %add3A_206 = arith.constant 1 : i32
    %add3A_207 = arith.addi %mul3A_205, %add3A_206 : i32
    %mul3A_208 = arith.constant 100000 : i32
    %mul3A_209 = arith.muli %add3A_207, %mul3A_208 : i32
    %iota3A_210 = tpu.iota {dimensions = array<i32: 0>} : vector<16xi32>
    %get3A_211 = arith.constant 0 : index
    %get3A_212 = tpu.vector_load %arg10[%get3A_211] {strides = array<i32>} : memref<80xi32, #tpu.memory_space<vmem>>, vector<16xi32>,
    %sub3A_213 = arith.constant 0 : i32
    %sub3A_214 = arith.subi %add3A_207, %sub3A_213 : i32
    %eq3A_215 = vector.broadcast %sub3A_214 : i32 to vector<16xi32>
    %eq3A_216 = arith.cmpi eq, %iota3A_210, %eq3A_215 : vector<16xi32>
    %jit3A_217 = arith.constant 0 : i32
    %broadcast_in_dim3A_218 = vector.broadcast %jit3A_217 : i32 to vector<16xi32>
    %select_n3A_219 = arith.select %eq3A_216, %get3A_212, %broadcast_in_dim3A_218 : vector<16xi1>, vector<16xi32>
    %reduce_sum3A_220 = arith.constant true
    %reduce_sum3A_221 = vector.broadcast %reduce_sum3A_220 : i1 to vector<16xi1>
    %reduce_sum3A_222 = tpu.scan <sum>, %select_n3A_219 masked %reduce_sum3A_221 : vector<16xi32>, vector<16xi1> -> vector<16xi32>
    %reduce_sum3A_223 = vector.extract %reduce_sum3A_222[15] : i32 from vector<16xi32>
    %add3A_224 = arith.constant 0 : i32
    %add3A_225 = arith.addi %add3A_224, %reduce_sum3A_223 : i32
    %get3A_226 = arith.constant 16 : index
    %get3A_227 = tpu.vector_load %arg10[%get3A_226] {strides = array<i32>} : memref<80xi32, #tpu.memory_space<vmem>>, vector<16xi32>,
    %sub3A_228 = arith.constant 16 : i32
    %sub3A_229 = arith.subi %add3A_207, %sub3A_228 : i32
    %eq3A_230 = vector.broadcast %sub3A_229 : i32 to vector<16xi32>
    %eq3A_231 = arith.cmpi eq, %iota3A_210, %eq3A_230 : vector<16xi32>
    %jit3A_232 = arith.constant 0 : i32
    %broadcast_in_dim3A_233 = vector.broadcast %jit3A_232 : i32 to vector<16xi32>
    %select_n3A_234 = arith.select %eq3A_231, %get3A_227, %broadcast_in_dim3A_233 : vector<16xi1>, vector<16xi32>
    %reduce_sum3A_235 = arith.constant true
    %reduce_sum3A_236 = vector.broadcast %reduce_sum3A_235 : i1 to vector<16xi1>
    %reduce_sum3A_237 = tpu.scan <sum>, %select_n3A_234 masked %reduce_sum3A_236 : vector<16xi32>, vector<16xi1> -> vector<16xi32>
    %reduce_sum3A_238 = vector.extract %reduce_sum3A_237[15] : i32 from vector<16xi32>
    %add3A_239 = arith.addi %add3A_225, %reduce_sum3A_238 : i32
    %get3A_240 = arith.constant 32 : index
    %get3A_241 = tpu.vector_load %arg10[%get3A_240] {strides = array<i32>} : memref<80xi32, #tpu.memory_space<vmem>>, vector<16xi32>,
    %sub3A_242 = arith.constant 32 : i32
    %sub3A_243 = arith.subi %add3A_207, %sub3A_242 : i32
    %eq3A_244 = vector.broadcast %sub3A_243 : i32 to vector<16xi32>
    %eq3A_245 = arith.cmpi eq, %iota3A_210, %eq3A_244 : vector<16xi32>
    %jit3A_246 = arith.constant 0 : i32
    %broadcast_in_dim3A_247 = vector.broadcast %jit3A_246 : i32 to vector<16xi32>
    %select_n3A_248 = arith.select %eq3A_245, %get3A_241, %broadcast_in_dim3A_247 : vector<16xi1>, vector<16xi32>
    %reduce_sum3A_249 = arith.constant true
    %reduce_sum3A_250 = vector.broadcast %reduce_sum3A_249 : i1 to vector<16xi1>
    %reduce_sum3A_251 = tpu.scan <sum>, %select_n3A_248 masked %reduce_sum3A_250 : vector<16xi32>, vector<16xi1> -> vector<16xi32>
    %reduce_sum3A_252 = vector.extract %reduce_sum3A_251[15] : i32 from vector<16xi32>
    %add3A_253 = arith.addi %add3A_239, %reduce_sum3A_252 : i32
    %get3A_254 = arith.constant 48 : index
    %get3A_255 = tpu.vector_load %arg10[%get3A_254] {strides = array<i32>} : memref<80xi32, #tpu.memory_space<vmem>>, vector<16xi32>,
    %sub3A_256 = arith.constant 48 : i32
    %sub3A_257 = arith.subi %add3A_207, %sub3A_256 : i32
    %eq3A_258 = vector.broadcast %sub3A_257 : i32 to vector<16xi32>
    %eq3A_259 = arith.cmpi eq, %iota3A_210, %eq3A_258 : vector<16xi32>
    %jit3A_260 = arith.constant 0 : i32
    %broadcast_in_dim3A_261 = vector.broadcast %jit3A_260 : i32 to vector<16xi32>
    %select_n3A_262 = arith.select %eq3A_259, %get3A_255, %broadcast_in_dim3A_261 : vector<16xi1>, vector<16xi32>
    %reduce_sum3A_263 = arith.constant true
    %reduce_sum3A_264 = vector.broadcast %reduce_sum3A_263 : i1 to vector<16xi1>
    %reduce_sum3A_265 = tpu.scan <sum>, %select_n3A_262 masked %reduce_sum3A_264 : vector<16xi32>, vector<16xi1> -> vector<16xi32>
    %reduce_sum3A_266 = vector.extract %reduce_sum3A_265[15] : i32 from vector<16xi32>
    %add3A_267 = arith.addi %add3A_253, %reduce_sum3A_266 : i32
    %get3A_268 = arith.constant 64 : index
    %get3A_269 = tpu.vector_load %arg10[%get3A_268] {strides = array<i32>} : memref<80xi32, #tpu.memory_space<vmem>>, vector<16xi32>,
    %sub3A_270 = arith.constant 64 : i32
    %sub3A_271 = arith.subi %add3A_207, %sub3A_270 : i32
    %eq3A_272 = vector.broadcast %sub3A_271 : i32 to vector<16xi32>
    %eq3A_273 = arith.cmpi eq, %iota3A_210, %eq3A_272 : vector<16xi32>
    %jit3A_274 = arith.constant 0 : i32
    %broadcast_in_dim3A_275 = vector.broadcast %jit3A_274 : i32 to vector<16xi32>
    %select_n3A_276 = arith.select %eq3A_273, %get3A_269, %broadcast_in_dim3A_275 : vector<16xi1>, vector<16xi32>
    %reduce_sum3A_277 = arith.constant true
    %reduce_sum3A_278 = vector.broadcast %reduce_sum3A_277 : i1 to vector<16xi1>
    %reduce_sum3A_279 = tpu.scan <sum>, %select_n3A_276 masked %reduce_sum3A_278 : vector<16xi32>, vector<16xi1> -> vector<16xi32>
    %reduce_sum3A_280 = vector.extract %reduce_sum3A_279[15] : i32 from vector<16xi32>
    %add3A_281 = arith.addi %add3A_267, %reduce_sum3A_280 : i32
    %add3A_282 = arith.constant 1 : i32
    %add3A_283 = arith.addi %add3A_207, %add3A_282 : i32
    %iota3A_284 = tpu.iota {dimensions = array<i32: 0>} : vector<16xi32>
    %get3A_285 = arith.constant 0 : index
    %get3A_286 = tpu.vector_load %arg10[%get3A_285] {strides = array<i32>} : memref<80xi32, #tpu.memory_space<vmem>>, vector<16xi32>,
    %sub3A_287 = arith.constant 0 : i32
    %sub3A_288 = arith.subi %add3A_283, %sub3A_287 : i32
    %eq3A_289 = vector.broadcast %sub3A_288 : i32 to vector<16xi32>
    %eq3A_290 = arith.cmpi eq, %iota3A_284, %eq3A_289 : vector<16xi32>
    %jit3A_291 = arith.constant 0 : i32
    %broadcast_in_dim3A_292 = vector.broadcast %jit3A_291 : i32 to vector<16xi32>
    %select_n3A_293 = arith.select %eq3A_290, %get3A_286, %broadcast_in_dim3A_292 : vector<16xi1>, vector<16xi32>
    %reduce_sum3A_294 = arith.constant true
    %reduce_sum3A_295 = vector.broadcast %reduce_sum3A_294 : i1 to vector<16xi1>
    %reduce_sum3A_296 = tpu.scan <sum>, %select_n3A_293 masked %reduce_sum3A_295 : vector<16xi32>, vector<16xi1> -> vector<16xi32>
    %reduce_sum3A_297 = vector.extract %reduce_sum3A_296[15] : i32 from vector<16xi32>
    %add3A_298 = arith.constant 0 : i32
    %add3A_299 = arith.addi %add3A_298, %reduce_sum3A_297 : i32
    %get3A_300 = arith.constant 16 : index
    %get3A_301 = tpu.vector_load %arg10[%get3A_300] {strides = array<i32>} : memref<80xi32, #tpu.memory_space<vmem>>, vector<16xi32>,
    %sub3A_302 = arith.constant 16 : i32
    %sub3A_303 = arith.subi %add3A_283, %sub3A_302 : i32
    %eq3A_304 = vector.broadcast %sub3A_303 : i32 to vector<16xi32>
    %eq3A_305 = arith.cmpi eq, %iota3A_284, %eq3A_304 : vector<16xi32>
    %jit3A_306 = arith.constant 0 : i32
    %broadcast_in_dim3A_307 = vector.broadcast %jit3A_306 : i32 to vector<16xi32>
    %select_n3A_308 = arith.select %eq3A_305, %get3A_301, %broadcast_in_dim3A_307 : vector<16xi1>, vector<16xi32>
    %reduce_sum3A_309 = arith.constant true
    %reduce_sum3A_310 = vector.broadcast %reduce_sum3A_309 : i1 to vector<16xi1>
    %reduce_sum3A_311 = tpu.scan <sum>, %select_n3A_308 masked %reduce_sum3A_310 : vector<16xi32>, vector<16xi1> -> vector<16xi32>
    %reduce_sum3A_312 = vector.extract %reduce_sum3A_311[15] : i32 from vector<16xi32>
    %add3A_313 = arith.addi %add3A_299, %reduce_sum3A_312 : i32
    %get3A_314 = arith.constant 32 : index
    %get3A_315 = tpu.vector_load %arg10[%get3A_314] {strides = array<i32>} : memref<80xi32, #tpu.memory_space<vmem>>, vector<16xi32>,
    %sub3A_316 = arith.constant 32 : i32
    %sub3A_317 = arith.subi %add3A_283, %sub3A_316 : i32
    %eq3A_318 = vector.broadcast %sub3A_317 : i32 to vector<16xi32>
    %eq3A_319 = arith.cmpi eq, %iota3A_284, %eq3A_318 : vector<16xi32>
    %jit3A_320 = arith.constant 0 : i32
    %broadcast_in_dim3A_321 = vector.broadcast %jit3A_320 : i32 to vector<16xi32>
    %select_n3A_322 = arith.select %eq3A_319, %get3A_315, %broadcast_in_dim3A_321 : vector<16xi1>, vector<16xi32>
    %reduce_sum3A_323 = arith.constant true
    %reduce_sum3A_324 = vector.broadcast %reduce_sum3A_323 : i1 to vector<16xi1>
    %reduce_sum3A_325 = tpu.scan <sum>, %select_n3A_322 masked %reduce_sum3A_324 : vector<16xi32>, vector<16xi1> -> vector<16xi32>
    %reduce_sum3A_326 = vector.extract %reduce_sum3A_325[15] : i32 from vector<16xi32>
    %add3A_327 = arith.addi %add3A_313, %reduce_sum3A_326 : i32
    %get3A_328 = arith.constant 48 : index
    %get3A_329 = tpu.vector_load %arg10[%get3A_328] {strides = array<i32>} : memref<80xi32, #tpu.memory_space<vmem>>, vector<16xi32>,
    %sub3A_330 = arith.constant 48 : i32
    %sub3A_331 = arith.subi %add3A_283, %sub3A_330 : i32
    %eq3A_332 = vector.broadcast %sub3A_331 : i32 to vector<16xi32>
    %eq3A_333 = arith.cmpi eq, %iota3A_284, %eq3A_332 : vector<16xi32>
    %jit3A_334 = arith.constant 0 : i32
    %broadcast_in_dim3A_335 = vector.broadcast %jit3A_334 : i32 to vector<16xi32>
    %select_n3A_336 = arith.select %eq3A_333, %get3A_329, %broadcast_in_dim3A_335 : vector<16xi1>, vector<16xi32>
    %reduce_sum3A_337 = arith.constant true
    %reduce_sum3A_338 = vector.broadcast %reduce_sum3A_337 : i1 to vector<16xi1>
    %reduce_sum3A_339 = tpu.scan <sum>, %select_n3A_336 masked %reduce_sum3A_338 : vector<16xi32>, vector<16xi1> -> vector<16xi32>
    %reduce_sum3A_340 = vector.extract %reduce_sum3A_339[15] : i32 from vector<16xi32>
    %add3A_341 = arith.addi %add3A_327, %reduce_sum3A_340 : i32
    %get3A_342 = arith.constant 64 : index
    %get3A_343 = tpu.vector_load %arg10[%get3A_342] {strides = array<i32>} : memref<80xi32, #tpu.memory_space<vmem>>, vector<16xi32>,
    %sub3A_344 = arith.constant 64 : i32
    %sub3A_345 = arith.subi %add3A_283, %sub3A_344 : i32
    %eq3A_346 = vector.broadcast %sub3A_345 : i32 to vector<16xi32>
    %eq3A_347 = arith.cmpi eq, %iota3A_284, %eq3A_346 : vector<16xi32>
    %jit3A_348 = arith.constant 0 : i32
    %broadcast_in_dim3A_349 = vector.broadcast %jit3A_348 : i32 to vector<16xi32>
    %select_n3A_350 = arith.select %eq3A_347, %get3A_343, %broadcast_in_dim3A_349 : vector<16xi1>, vector<16xi32>
    %reduce_sum3A_351 = arith.constant true
    %reduce_sum3A_352 = vector.broadcast %reduce_sum3A_351 : i1 to vector<16xi1>
    %reduce_sum3A_353 = tpu.scan <sum>, %select_n3A_350 masked %reduce_sum3A_352 : vector<16xi32>, vector<16xi1> -> vector<16xi32>
    %reduce_sum3A_354 = vector.extract %reduce_sum3A_353[15] : i32 from vector<16xi32>
    %add3A_355 = arith.addi %add3A_341, %reduce_sum3A_354 : i32
    "tpu.region"() ({
      %run_scoped3A = tpu.sem_alloc : memref<!tpu.dma_semaphore, #tpu.memory_space<semaphore_mem>>
      tpu.enqueue_dma source(%arg4 : memref<100000xf32, #tpu.memory_space<hbm>>) target(%arg7 : memref<100000xf32, #tpu.memory_space<vmem>>) target_semaphore(%run_scoped3A : memref<!tpu.dma_semaphore, #tpu.memory_space<semaphore_mem>>)
      tpu.wait_dma2 semaphore(%run_scoped3A : memref<!tpu.dma_semaphore, #tpu.memory_space<semaphore_mem>>) src(%arg4 : memref<100000xf32, #tpu.memory_space<hbm>>) dst(%arg7 : memref<100000xf32, #tpu.memory_space<vmem>>)
      tpu.yield
    }) : () -> ()
    %jit3A_356 = arith.constant 8 : i32
    %div3A_357 = arith.divsi %add3A_281, %jit3A_356 : i32
    %sign3A_358 = arith.constant 0 : i32
    %sign3A_359 = arith.cmpi sgt, %add3A_281, %sign3A_358 : i32
    %sign3A_360 = arith.extui %sign3A_359 : i1 to i32
    %sign3A_361 = arith.constant 0 : i32
    %sign3A_362 = arith.cmpi slt, %add3A_281, %sign3A_361 : i32
    %sign3A_363 = arith.extui %sign3A_362 : i1 to i32
    %sign3A_364 = arith.subi %sign3A_360, %sign3A_363 : i32
    %sign3A_365 = arith.constant 0 : i32
    %sign3A_366 = arith.cmpi sgt, %jit3A_356, %sign3A_365 : i32
    %sign3A_367 = arith.extui %sign3A_366 : i1 to i32
    %sign3A_368 = arith.constant 0 : i32
    %sign3A_369 = arith.cmpi slt, %jit3A_356, %sign3A_368 : i32
    %sign3A_370 = arith.extui %sign3A_369 : i1 to i32
    %sign3A_371 = arith.subi %sign3A_367, %sign3A_370 : i32
    %ne3A_372 = arith.cmpi ne, %sign3A_364, %sign3A_371 : i32
    %rem3A_373 = arith.remsi %add3A_281, %jit3A_356 : i32
    %ne3A_374 = arith.constant 0 : i32
    %ne3A_375 = arith.cmpi ne, %rem3A_373, %ne3A_374 : i32
    %and3A_376 = arith.andi %ne3A_372, %ne3A_375 : i1
    %sub3A_377 = arith.constant 1 : i32
    %sub3A_378 = arith.subi %div3A_357, %sub3A_377 : i32
    %select_n3A_379 = arith.select %and3A_376, %sub3A_378, %div3A_357 : i32
    %mul3A_380 = arith.constant 8 : i32
    %mul3A_381 = arith.muli %select_n3A_379, %mul3A_380 : i32
    %sub3A_382 = arith.subi %add3A_355, %mul3A_381 : i32
    %add3A_383 = arith.constant 4095 : i32
    %add3A_384 = arith.addi %sub3A_382, %add3A_383 : i32
    %jit3A_385 = arith.constant 4096 : i32
    %div3A_386 = arith.divsi %add3A_384, %jit3A_385 : i32
    %sign3A_387 = arith.constant 0 : i32
    %sign3A_388 = arith.cmpi sgt, %add3A_384, %sign3A_387 : i32
    %sign3A_389 = arith.extui %sign3A_388 : i1 to i32
    %sign3A_390 = arith.constant 0 : i32
    %sign3A_391 = arith.cmpi slt, %add3A_384, %sign3A_390 : i32
    %sign3A_392 = arith.extui %sign3A_391 : i1 to i32
    %sign3A_393 = arith.subi %sign3A_389, %sign3A_392 : i32
    %sign3A_394 = arith.constant 0 : i32
    %sign3A_395 = arith.cmpi sgt, %jit3A_385, %sign3A_394 : i32
    %sign3A_396 = arith.extui %sign3A_395 : i1 to i32
    %sign3A_397 = arith.constant 0 : i32
    %sign3A_398 = arith.cmpi slt, %jit3A_385, %sign3A_397 : i32
    %sign3A_399 = arith.extui %sign3A_398 : i1 to i32
    %sign3A_400 = arith.subi %sign3A_396, %sign3A_399 : i32
    %ne3A_401 = arith.cmpi ne, %sign3A_393, %sign3A_400 : i32
    %rem3A_402 = arith.remsi %add3A_384, %jit3A_385 : i32
    %ne3A_403 = arith.constant 0 : i32
    %ne3A_404 = arith.cmpi ne, %rem3A_402, %ne3A_403 : i32
    %and3A_405 = arith.andi %ne3A_401, %ne3A_404 : i1
    %sub3A_406 = arith.constant 1 : i32
    %sub3A_407 = arith.subi %div3A_386, %sub3A_406 : i32
    %select_n3A_408 = arith.select %and3A_405, %sub3A_407, %div3A_386 : i32
    %while3A_409 = arith.constant 0 : i32
    %while3A_410 = arith.constant 0 : i32
    %while3A_411 = arith.subi %select_n3A_408, %while3A_409 : i32
    %while3A_412 = arith.addi %while3A_409, %while3A_411 : i32
    %while3A_413 = arith.constant 1 : i32
    %while3A_414 = arith.divsi %while3A_411, %while3A_413 : i32
    %while3A_415 = arith.muli %while3A_414, %while3A_413 : i32
    %while3A_416 = arith.addi %while3A_409, %while3A_415 : i32
    %while3A_417 = arith.constant 1 : i32
    %while3A_418 = scf.for %while3A_422 = %while3A_409 to %while3A_416 step %while3A_417 iter_args(%while3A_423 = %while3A_410) -> (i32)  : i32 {
      %mul3A_424 = arith.constant 4096 : i32
      %mul3A_425 = arith.muli %while3A_422, %mul3A_424 : i32
      %add3A_426 = arith.addi %mul3A_381, %mul3A_425 : i32
      %multiple_of3A_427 = tpu.assume_multiple %add3A_426, 8 : i32
      "tpu.region"() ({
        %run_scoped3A = tpu.sem_alloc : memref<!tpu.dma_semaphore, #tpu.memory_space<semaphore_mem>>
        %dma_start3A = tpu.memref_slice %arg2[%multiple_of3A_427] : memref<504112xi32, #tpu.memory_space<hbm>> -> memref<4112xi32, #tpu.memory_space<hbm>>
        %dma_start3A_435 = tpu.memref_slice %arg2[%multiple_of3A_427] : memref<504112xi32, #tpu.memory_space<hbm>> -> memref<4112xi32, #tpu.memory_space<hbm>>
        tpu.enqueue_dma source(%dma_start3A_435 : memref<4112xi32, #tpu.memory_space<hbm>>) target(%arg8 : memref<4112xi32, #tpu.memory_space<vmem>>) target_semaphore(%run_scoped3A : memref<!tpu.dma_semaphore, #tpu.memory_space<semaphore_mem>>)
        %dma_wait3A = tpu.memref_slice %arg2[%multiple_of3A_427] : memref<504112xi32, #tpu.memory_space<hbm>> -> memref<4112xi32, #tpu.memory_space<hbm>>
        %dma_wait3A_436 = tpu.memref_slice %arg2[%multiple_of3A_427] : memref<504112xi32, #tpu.memory_space<hbm>> -> memref<4112xi32, #tpu.memory_space<hbm>>
        tpu.wait_dma2 semaphore(%run_scoped3A : memref<!tpu.dma_semaphore, #tpu.memory_space<semaphore_mem>>) src(%dma_wait3A_436 : memref<4112xi32, #tpu.memory_space<hbm>>) dst(%arg8 : memref<4112xi32, #tpu.memory_space<vmem>>)
        tpu.yield
      }) : () -> ()
      "tpu.region"() ({
        %run_scoped3A = tpu.sem_alloc : memref<!tpu.dma_semaphore, #tpu.memory_space<semaphore_mem>>
        %dma_start3A = tpu.memref_slice %arg3[%multiple_of3A_427] : memref<504112xf32, #tpu.memory_space<hbm>> -> memref<4096xf32, #tpu.memory_space<hbm>>
        %dma_start3A_435 = tpu.memref_slice %arg3[%multiple_of3A_427] : memref<504112xf32, #tpu.memory_space<hbm>> -> memref<4096xf32, #tpu.memory_space<hbm>>
        tpu.enqueue_dma source(%dma_start3A_435 : memref<4096xf32, #tpu.memory_space<hbm>>) target(%arg9 : memref<4096xf32, #tpu.memory_space<vmem>>) target_semaphore(%run_scoped3A : memref<!tpu.dma_semaphore, #tpu.memory_space<semaphore_mem>>)
        %dma_wait3A = tpu.memref_slice %arg3[%multiple_of3A_427] : memref<504112xf32, #tpu.memory_space<hbm>> -> memref<4096xf32, #tpu.memory_space<hbm>>
        %dma_wait3A_436 = tpu.memref_slice %arg3[%multiple_of3A_427] : memref<504112xf32, #tpu.memory_space<hbm>> -> memref<4096xf32, #tpu.memory_space<hbm>>
        tpu.wait_dma2 semaphore(%run_scoped3A : memref<!tpu.dma_semaphore, #tpu.memory_space<semaphore_mem>>) src(%dma_wait3A_436 : memref<4096xf32, #tpu.memory_space<hbm>>) dst(%arg9 : memref<4096xf32, #tpu.memory_space<vmem>>)
        tpu.yield
      }) : () -> ()
      %scan3A = arith.constant 0 : i32
      %scan3A_428 = arith.constant 0 : i32
      %scan3A_429 = arith.constant 256 : i32
      %scan3A_430 = arith.addi %scan3A_428, %scan3A_429 : i32
      %scan3A_431 = arith.constant 8 : i32
      %scan3A_432 = scf.for %scan3A_435 = %scan3A_428 to %scan3A_430 step %scan3A_431 iter_args(%scan3A_436 = %scan3A) -> (i32)  : i32 {
        %mul3A_437 = arith.constant 16 : i32
        %mul3A_438 = arith.muli %scan3A_435, %mul3A_437 : i32
        %get3A_439 = arith.index_cast %mul3A_438 : i32 to index
        %get3A_440 = tpu.vector_load %arg8[%get3A_439] {strides = array<i32>} : memref<4112xi32, #tpu.memory_space<vmem>>, vector<16xi32>,
        %mul3A_441 = arith.constant 16 : i32
        %mul3A_442 = arith.muli %scan3A_435, %mul3A_441 : i32
        %add3A_443 = arith.constant 1 : i32
        %add3A_444 = arith.addi %mul3A_442, %add3A_443 : i32
        %get3A_445 = arith.index_cast %add3A_444 : i32 to index
        %get3A_446 = tpu.vector_load %arg8[%get3A_445] {strides = array<i32>} : memref<4112xi32, #tpu.memory_space<vmem>>, vector<16xi32>,
        %mul3A_447 = arith.constant 16 : i32
        %mul3A_448 = arith.muli %scan3A_435, %mul3A_447 : i32
        %get3A_449 = arith.index_cast %mul3A_448 : i32 to index
        %get3A_450 = tpu.vector_load %arg9[%get3A_449] {strides = array<i32>} : memref<4096xf32, #tpu.memory_space<vmem>>, vector<16xf32>,
        %ge3A = vector.broadcast %mul3A_209 : i32 to vector<16xi32>
        %ge3A_451 = arith.cmpi sge, %get3A_440, %ge3A : vector<16xi32>
        %add3A_452 = arith.constant 100000 : i32
        %add3A_453 = arith.addi %mul3A_209, %add3A_452 : i32
        %lt3A = vector.broadcast %add3A_453 : i32 to vector<16xi32>
        %lt3A_454 = arith.cmpi slt, %get3A_440, %lt3A : vector<16xi32>
        %and3A_455 = arith.andi %ge3A_451, %lt3A_454 : vector<16xi1>
        %ne3A_456 = arith.cmpi ne, %get3A_440, %get3A_446 : vector<16xi32>
        %and3A_457 = arith.andi %and3A_455, %ne3A_456 : vector<16xi1>
        %sub3A_458 = vector.broadcast %mul3A_209 : i32 to vector<16xi32>
        %sub3A_459 = arith.subi %get3A_440, %sub3A_458 : vector<16xi32>
        %jit3A_460 = arith.constant 0 : i32
        %broadcast_in_dim3A_461 = vector.broadcast %jit3A_460 : i32 to vector<16xi32>
        %select_n3A_462 = arith.select %and3A_457, %sub3A_459, %broadcast_in_dim3A_461 : vector<16xi1>, vector<16xi32>
        tpu.vector_store_idx %arg7[%select_n3A_462], %get3A_450 masked %and3A_457 {add = true} : memref<100000xf32, #tpu.memory_space<vmem>>[vector<16xi32>], vector<16xf32>, vector<16xi1>
        %scan3A_463 = arith.constant 0 : i32
        %scan3A_464 = arith.constant 1 : i32
        %scan3A_465 = arith.addi %scan3A_435, %scan3A_464 : i32
        %mul3A_466 = arith.constant 16 : i32
        %mul3A_467 = arith.muli %scan3A_465, %mul3A_466 : i32
        %get3A_468 = arith.index_cast %mul3A_467 : i32 to index
        %get3A_469 = tpu.vector_load %arg8[%get3A_468] {strides = array<i32>} : memref<4112xi32, #tpu.memory_space<vmem>>, vector<16xi32>,
        %mul3A_470 = arith.constant 16 : i32
        %mul3A_471 = arith.muli %scan3A_465, %mul3A_470 : i32
        %add3A_472 = arith.constant 1 : i32
        %add3A_473 = arith.addi %mul3A_471, %add3A_472 : i32
        %get3A_474 = arith.index_cast %add3A_473 : i32 to index
        %get3A_475 = tpu.vector_load %arg8[%get3A_474] {strides = array<i32>} : memref<4112xi32, #tpu.memory_space<vmem>>, vector<16xi32>,
        %mul3A_476 = arith.constant 16 : i32
        %mul3A_477 = arith.muli %scan3A_465, %mul3A_476 : i32
        %get3A_478 = arith.index_cast %mul3A_477 : i32 to index
        %get3A_479 = tpu.vector_load %arg9[%get3A_478] {strides = array<i32>} : memref<4096xf32, #tpu.memory_space<vmem>>, vector<16xf32>,
        %ge3A_480 = vector.broadcast %mul3A_209 : i32 to vector<16xi32>
        %ge3A_481 = arith.cmpi sge, %get3A_469, %ge3A_480 : vector<16xi32>
        %add3A_482 = arith.constant 100000 : i32
        %add3A_483 = arith.addi %mul3A_209, %add3A_482 : i32
        %lt3A_484 = vector.broadcast %add3A_483 : i32 to vector<16xi32>
        %lt3A_485 = arith.cmpi slt, %get3A_469, %lt3A_484 : vector<16xi32>
        %and3A_486 = arith.andi %ge3A_481, %lt3A_485 : vector<16xi1>
        %ne3A_487 = arith.cmpi ne, %get3A_469, %get3A_475 : vector<16xi32>
        %and3A_488 = arith.andi %and3A_486, %ne3A_487 : vector<16xi1>
        %sub3A_489 = vector.broadcast %mul3A_209 : i32 to vector<16xi32>
        %sub3A_490 = arith.subi %get3A_469, %sub3A_489 : vector<16xi32>
        %jit3A_491 = arith.constant 0 : i32
        %broadcast_in_dim3A_492 = vector.broadcast %jit3A_491 : i32 to vector<16xi32>
        %select_n3A_493 = arith.select %and3A_488, %sub3A_490, %broadcast_in_dim3A_492 : vector<16xi1>, vector<16xi32>
        tpu.vector_store_idx %arg7[%select_n3A_493], %get3A_479 masked %and3A_488 {add = true} : memref<100000xf32, #tpu.memory_space<vmem>>[vector<16xi32>], vector<16xf32>, vector<16xi1>
        %scan3A_494 = arith.constant 0 : i32
        %scan3A_495 = arith.constant 2 : i32
        %scan3A_496 = arith.addi %scan3A_435, %scan3A_495 : i32
        %mul3A_497 = arith.constant 16 : i32
        %mul3A_498 = arith.muli %scan3A_496, %mul3A_497 : i32
        %get3A_499 = arith.index_cast %mul3A_498 : i32 to index
        %get3A_500 = tpu.vector_load %arg8[%get3A_499] {strides = array<i32>} : memref<4112xi32, #tpu.memory_space<vmem>>, vector<16xi32>,
        %mul3A_501 = arith.constant 16 : i32
        %mul3A_502 = arith.muli %scan3A_496, %mul3A_501 : i32
        %add3A_503 = arith.constant 1 : i32
        %add3A_504 = arith.addi %mul3A_502, %add3A_503 : i32
        %get3A_505 = arith.index_cast %add3A_504 : i32 to index
        %get3A_506 = tpu.vector_load %arg8[%get3A_505] {strides = array<i32>} : memref<4112xi32, #tpu.memory_space<vmem>>, vector<16xi32>,
        %mul3A_507 = arith.constant 16 : i32
        %mul3A_508 = arith.muli %scan3A_496, %mul3A_507 : i32
        %get3A_509 = arith.index_cast %mul3A_508 : i32 to index
        %get3A_510 = tpu.vector_load %arg9[%get3A_509] {strides = array<i32>} : memref<4096xf32, #tpu.memory_space<vmem>>, vector<16xf32>,
        %ge3A_511 = vector.broadcast %mul3A_209 : i32 to vector<16xi32>
        %ge3A_512 = arith.cmpi sge, %get3A_500, %ge3A_511 : vector<16xi32>
        %add3A_513 = arith.constant 100000 : i32
        %add3A_514 = arith.addi %mul3A_209, %add3A_513 : i32
        %lt3A_515 = vector.broadcast %add3A_514 : i32 to vector<16xi32>
        %lt3A_516 = arith.cmpi slt, %get3A_500, %lt3A_515 : vector<16xi32>
        %and3A_517 = arith.andi %ge3A_512, %lt3A_516 : vector<16xi1>
        %ne3A_518 = arith.cmpi ne, %get3A_500, %get3A_506 : vector<16xi32>
        %and3A_519 = arith.andi %and3A_517, %ne3A_518 : vector<16xi1>
        %sub3A_520 = vector.broadcast %mul3A_209 : i32 to vector<16xi32>
        %sub3A_521 = arith.subi %get3A_500, %sub3A_520 : vector<16xi32>
        %jit3A_522 = arith.constant 0 : i32
        %broadcast_in_dim3A_523 = vector.broadcast %jit3A_522 : i32 to vector<16xi32>
        %select_n3A_524 = arith.select %and3A_519, %sub3A_521, %broadcast_in_dim3A_523 : vector<16xi1>, vector<16xi32>
        tpu.vector_store_idx %arg7[%select_n3A_524], %get3A_510 masked %and3A_519 {add = true} : memref<100000xf32, #tpu.memory_space<vmem>>[vector<16xi32>], vector<16xf32>, vector<16xi1>
        %scan3A_525 = arith.constant 0 : i32
        %scan3A_526 = arith.constant 3 : i32
        %scan3A_527 = arith.addi %scan3A_435, %scan3A_526 : i32
        %mul3A_528 = arith.constant 16 : i32
        %mul3A_529 = arith.muli %scan3A_527, %mul3A_528 : i32
        %get3A_530 = arith.index_cast %mul3A_529 : i32 to index
        %get3A_531 = tpu.vector_load %arg8[%get3A_530] {strides = array<i32>} : memref<4112xi32, #tpu.memory_space<vmem>>, vector<16xi32>,
        %mul3A_532 = arith.constant 16 : i32
        %mul3A_533 = arith.muli %scan3A_527, %mul3A_532 : i32
        %add3A_534 = arith.constant 1 : i32
        %add3A_535 = arith.addi %mul3A_533, %add3A_534 : i32
        %get3A_536 = arith.index_cast %add3A_535 : i32 to index
        %get3A_537 = tpu.vector_load %arg8[%get3A_536] {strides = array<i32>} : memref<4112xi32, #tpu.memory_space<vmem>>, vector<16xi32>,
        %mul3A_538 = arith.constant 16 : i32
        %mul3A_539 = arith.muli %scan3A_527, %mul3A_538 : i32
        %get3A_540 = arith.index_cast %mul3A_539 : i32 to index
        %get3A_541 = tpu.vector_load %arg9[%get3A_540] {strides = array<i32>} : memref<4096xf32, #tpu.memory_space<vmem>>, vector<16xf32>,
        %ge3A_542 = vector.broadcast %mul3A_209 : i32 to vector<16xi32>
        %ge3A_543 = arith.cmpi sge, %get3A_531, %ge3A_542 : vector<16xi32>
        %add3A_544 = arith.constant 100000 : i32
        %add3A_545 = arith.addi %mul3A_209, %add3A_544 : i32
        %lt3A_546 = vector.broadcast %add3A_545 : i32 to vector<16xi32>
        %lt3A_547 = arith.cmpi slt, %get3A_531, %lt3A_546 : vector<16xi32>
        %and3A_548 = arith.andi %ge3A_543, %lt3A_547 : vector<16xi1>
        %ne3A_549 = arith.cmpi ne, %get3A_531, %get3A_537 : vector<16xi32>
        %and3A_550 = arith.andi %and3A_548, %ne3A_549 : vector<16xi1>
        %sub3A_551 = vector.broadcast %mul3A_209 : i32 to vector<16xi32>
        %sub3A_552 = arith.subi %get3A_531, %sub3A_551 : vector<16xi32>
        %jit3A_553 = arith.constant 0 : i32
        %broadcast_in_dim3A_554 = vector.broadcast %jit3A_553 : i32 to vector<16xi32>
        %select_n3A_555 = arith.select %and3A_550, %sub3A_552, %broadcast_in_dim3A_554 : vector<16xi1>, vector<16xi32>
        tpu.vector_store_idx %arg7[%select_n3A_555], %get3A_541 masked %and3A_550 {add = true} : memref<100000xf32, #tpu.memory_space<vmem>>[vector<16xi32>], vector<16xf32>, vector<16xi1>
        %scan3A_556 = arith.constant 0 : i32
        %scan3A_557 = arith.constant 4 : i32
        %scan3A_558 = arith.addi %scan3A_435, %scan3A_557 : i32
        %mul3A_559 = arith.constant 16 : i32
        %mul3A_560 = arith.muli %scan3A_558, %mul3A_559 : i32
        %get3A_561 = arith.index_cast %mul3A_560 : i32 to index
        %get3A_562 = tpu.vector_load %arg8[%get3A_561] {strides = array<i32>} : memref<4112xi32, #tpu.memory_space<vmem>>, vector<16xi32>,
        %mul3A_563 = arith.constant 16 : i32
        %mul3A_564 = arith.muli %scan3A_558, %mul3A_563 : i32
        %add3A_565 = arith.constant 1 : i32
        %add3A_566 = arith.addi %mul3A_564, %add3A_565 : i32
        %get3A_567 = arith.index_cast %add3A_566 : i32 to index
        %get3A_568 = tpu.vector_load %arg8[%get3A_567] {strides = array<i32>} : memref<4112xi32, #tpu.memory_space<vmem>>, vector<16xi32>,
        %mul3A_569 = arith.constant 16 : i32
        %mul3A_570 = arith.muli %scan3A_558, %mul3A_569 : i32
        %get3A_571 = arith.index_cast %mul3A_570 : i32 to index
        %get3A_572 = tpu.vector_load %arg9[%get3A_571] {strides = array<i32>} : memref<4096xf32, #tpu.memory_space<vmem>>, vector<16xf32>,
        %ge3A_573 = vector.broadcast %mul3A_209 : i32 to vector<16xi32>
        %ge3A_574 = arith.cmpi sge, %get3A_562, %ge3A_573 : vector<16xi32>
        %add3A_575 = arith.constant 100000 : i32
        %add3A_576 = arith.addi %mul3A_209, %add3A_575 : i32
        %lt3A_577 = vector.broadcast %add3A_576 : i32 to vector<16xi32>
        %lt3A_578 = arith.cmpi slt, %get3A_562, %lt3A_577 : vector<16xi32>
        %and3A_579 = arith.andi %ge3A_574, %lt3A_578 : vector<16xi1>
        %ne3A_580 = arith.cmpi ne, %get3A_562, %get3A_568 : vector<16xi32>
        %and3A_581 = arith.andi %and3A_579, %ne3A_580 : vector<16xi1>
        %sub3A_582 = vector.broadcast %mul3A_209 : i32 to vector<16xi32>
        %sub3A_583 = arith.subi %get3A_562, %sub3A_582 : vector<16xi32>
        %jit3A_584 = arith.constant 0 : i32
        %broadcast_in_dim3A_585 = vector.broadcast %jit3A_584 : i32 to vector<16xi32>
        %select_n3A_586 = arith.select %and3A_581, %sub3A_583, %broadcast_in_dim3A_585 : vector<16xi1>, vector<16xi32>
        tpu.vector_store_idx %arg7[%select_n3A_586], %get3A_572 masked %and3A_581 {add = true} : memref<100000xf32, #tpu.memory_space<vmem>>[vector<16xi32>], vector<16xf32>, vector<16xi1>
        %scan3A_587 = arith.constant 0 : i32
        %scan3A_588 = arith.constant 5 : i32
        %scan3A_589 = arith.addi %scan3A_435, %scan3A_588 : i32
        %mul3A_590 = arith.constant 16 : i32
        %mul3A_591 = arith.muli %scan3A_589, %mul3A_590 : i32
        %get3A_592 = arith.index_cast %mul3A_591 : i32 to index
        %get3A_593 = tpu.vector_load %arg8[%get3A_592] {strides = array<i32>} : memref<4112xi32, #tpu.memory_space<vmem>>, vector<16xi32>,
        %mul3A_594 = arith.constant 16 : i32
        %mul3A_595 = arith.muli %scan3A_589, %mul3A_594 : i32
        %add3A_596 = arith.constant 1 : i32
        %add3A_597 = arith.addi %mul3A_595, %add3A_596 : i32
        %get3A_598 = arith.index_cast %add3A_597 : i32 to index
        %get3A_599 = tpu.vector_load %arg8[%get3A_598] {strides = array<i32>} : memref<4112xi32, #tpu.memory_space<vmem>>, vector<16xi32>,
        %mul3A_600 = arith.constant 16 : i32
        %mul3A_601 = arith.muli %scan3A_589, %mul3A_600 : i32
        %get3A_602 = arith.index_cast %mul3A_601 : i32 to index
        %get3A_603 = tpu.vector_load %arg9[%get3A_602] {strides = array<i32>} : memref<4096xf32, #tpu.memory_space<vmem>>, vector<16xf32>,
        %ge3A_604 = vector.broadcast %mul3A_209 : i32 to vector<16xi32>
        %ge3A_605 = arith.cmpi sge, %get3A_593, %ge3A_604 : vector<16xi32>
        %add3A_606 = arith.constant 100000 : i32
        %add3A_607 = arith.addi %mul3A_209, %add3A_606 : i32
        %lt3A_608 = vector.broadcast %add3A_607 : i32 to vector<16xi32>
        %lt3A_609 = arith.cmpi slt, %get3A_593, %lt3A_608 : vector<16xi32>
        %and3A_610 = arith.andi %ge3A_605, %lt3A_609 : vector<16xi1>
        %ne3A_611 = arith.cmpi ne, %get3A_593, %get3A_599 : vector<16xi32>
        %and3A_612 = arith.andi %and3A_610, %ne3A_611 : vector<16xi1>
        %sub3A_613 = vector.broadcast %mul3A_209 : i32 to vector<16xi32>
        %sub3A_614 = arith.subi %get3A_593, %sub3A_613 : vector<16xi32>
        %jit3A_615 = arith.constant 0 : i32
        %broadcast_in_dim3A_616 = vector.broadcast %jit3A_615 : i32 to vector<16xi32>
        %select_n3A_617 = arith.select %and3A_612, %sub3A_614, %broadcast_in_dim3A_616 : vector<16xi1>, vector<16xi32>
        tpu.vector_store_idx %arg7[%select_n3A_617], %get3A_603 masked %and3A_612 {add = true} : memref<100000xf32, #tpu.memory_space<vmem>>[vector<16xi32>], vector<16xf32>, vector<16xi1>
        %scan3A_618 = arith.constant 0 : i32
        %scan3A_619 = arith.constant 6 : i32
        %scan3A_620 = arith.addi %scan3A_435, %scan3A_619 : i32
        %mul3A_621 = arith.constant 16 : i32
        %mul3A_622 = arith.muli %scan3A_620, %mul3A_621 : i32
        %get3A_623 = arith.index_cast %mul3A_622 : i32 to index
        %get3A_624 = tpu.vector_load %arg8[%get3A_623] {strides = array<i32>} : memref<4112xi32, #tpu.memory_space<vmem>>, vector<16xi32>,
        %mul3A_625 = arith.constant 16 : i32
        %mul3A_626 = arith.muli %scan3A_620, %mul3A_625 : i32
        %add3A_627 = arith.constant 1 : i32
        %add3A_628 = arith.addi %mul3A_626, %add3A_627 : i32
        %get3A_629 = arith.index_cast %add3A_628 : i32 to index
        %get3A_630 = tpu.vector_load %arg8[%get3A_629] {strides = array<i32>} : memref<4112xi32, #tpu.memory_space<vmem>>, vector<16xi32>,
        %mul3A_631 = arith.constant 16 : i32
        %mul3A_632 = arith.muli %scan3A_620, %mul3A_631 : i32
        %get3A_633 = arith.index_cast %mul3A_632 : i32 to index
        %get3A_634 = tpu.vector_load %arg9[%get3A_633] {strides = array<i32>} : memref<4096xf32, #tpu.memory_space<vmem>>, vector<16xf32>,
        %ge3A_635 = vector.broadcast %mul3A_209 : i32 to vector<16xi32>
        %ge3A_636 = arith.cmpi sge, %get3A_624, %ge3A_635 : vector<16xi32>
        %add3A_637 = arith.constant 100000 : i32
        %add3A_638 = arith.addi %mul3A_209, %add3A_637 : i32
        %lt3A_639 = vector.broadcast %add3A_638 : i32 to vector<16xi32>
        %lt3A_640 = arith.cmpi slt, %get3A_624, %lt3A_639 : vector<16xi32>
        %and3A_641 = arith.andi %ge3A_636, %lt3A_640 : vector<16xi1>
        %ne3A_642 = arith.cmpi ne, %get3A_624, %get3A_630 : vector<16xi32>
        %and3A_643 = arith.andi %and3A_641, %ne3A_642 : vector<16xi1>
        %sub3A_644 = vector.broadcast %mul3A_209 : i32 to vector<16xi32>
        %sub3A_645 = arith.subi %get3A_624, %sub3A_644 : vector<16xi32>
        %jit3A_646 = arith.constant 0 : i32
        %broadcast_in_dim3A_647 = vector.broadcast %jit3A_646 : i32 to vector<16xi32>
        %select_n3A_648 = arith.select %and3A_643, %sub3A_645, %broadcast_in_dim3A_647 : vector<16xi1>, vector<16xi32>
        tpu.vector_store_idx %arg7[%select_n3A_648], %get3A_634 masked %and3A_643 {add = true} : memref<100000xf32, #tpu.memory_space<vmem>>[vector<16xi32>], vector<16xf32>, vector<16xi1>
        %scan3A_649 = arith.constant 0 : i32
        %scan3A_650 = arith.constant 7 : i32
        %scan3A_651 = arith.addi %scan3A_435, %scan3A_650 : i32
        %mul3A_652 = arith.constant 16 : i32
        %mul3A_653 = arith.muli %scan3A_651, %mul3A_652 : i32
        %get3A_654 = arith.index_cast %mul3A_653 : i32 to index
        %get3A_655 = tpu.vector_load %arg8[%get3A_654] {strides = array<i32>} : memref<4112xi32, #tpu.memory_space<vmem>>, vector<16xi32>,
        %mul3A_656 = arith.constant 16 : i32
        %mul3A_657 = arith.muli %scan3A_651, %mul3A_656 : i32
        %add3A_658 = arith.constant 1 : i32
        %add3A_659 = arith.addi %mul3A_657, %add3A_658 : i32
        %get3A_660 = arith.index_cast %add3A_659 : i32 to index
        %get3A_661 = tpu.vector_load %arg8[%get3A_660] {strides = array<i32>} : memref<4112xi32, #tpu.memory_space<vmem>>, vector<16xi32>,
        %mul3A_662 = arith.constant 16 : i32
        %mul3A_663 = arith.muli %scan3A_651, %mul3A_662 : i32
        %get3A_664 = arith.index_cast %mul3A_663 : i32 to index
        %get3A_665 = tpu.vector_load %arg9[%get3A_664] {strides = array<i32>} : memref<4096xf32, #tpu.memory_space<vmem>>, vector<16xf32>,
        %ge3A_666 = vector.broadcast %mul3A_209 : i32 to vector<16xi32>
        %ge3A_667 = arith.cmpi sge, %get3A_655, %ge3A_666 : vector<16xi32>
        %add3A_668 = arith.constant 100000 : i32
        %add3A_669 = arith.addi %mul3A_209, %add3A_668 : i32
        %lt3A_670 = vector.broadcast %add3A_669 : i32 to vector<16xi32>
        %lt3A_671 = arith.cmpi slt, %get3A_655, %lt3A_670 : vector<16xi32>
        %and3A_672 = arith.andi %ge3A_667, %lt3A_671 : vector<16xi1>
        %ne3A_673 = arith.cmpi ne, %get3A_655, %get3A_661 : vector<16xi32>
        %and3A_674 = arith.andi %and3A_672, %ne3A_673 : vector<16xi1>
        %sub3A_675 = vector.broadcast %mul3A_209 : i32 to vector<16xi32>
        %sub3A_676 = arith.subi %get3A_655, %sub3A_675 : vector<16xi32>
        %jit3A_677 = arith.constant 0 : i32
        %broadcast_in_dim3A_678 = vector.broadcast %jit3A_677 : i32 to vector<16xi32>
        %select_n3A_679 = arith.select %and3A_674, %sub3A_676, %broadcast_in_dim3A_678 : vector<16xi1>, vector<16xi32>
        tpu.vector_store_idx %arg7[%select_n3A_679], %get3A_665 masked %and3A_674 {add = true} : memref<100000xf32, #tpu.memory_space<vmem>>[vector<16xi32>], vector<16xf32>, vector<16xi1>
        %scan3A_680 = arith.constant 0 : i32
        scf.yield %scan3A_680 : i32
      }
      %scan3A_433 = arith.constant 256 : i32
      %while3A_434 = arith.constant 0 : i32
      scf.yield %while3A_434 : i32
    }
    %while3A_419 = arith.constant 1 : i32
    %while3A_420 = scf.for %while3A_422 = %while3A_416 to %while3A_412 step %while3A_419 iter_args(%while3A_423 = %while3A_418) -> (i32)  : i32 {
      %mul3A_424 = arith.constant 4096 : i32
      %mul3A_425 = arith.muli %while3A_422, %mul3A_424 : i32
      %add3A_426 = arith.addi %mul3A_381, %mul3A_425 : i32
      %multiple_of3A_427 = tpu.assume_multiple %add3A_426, 8 : i32
      "tpu.region"() ({
        %run_scoped3A = tpu.sem_alloc : memref<!tpu.dma_semaphore, #tpu.memory_space<semaphore_mem>>
        %dma_start3A = tpu.memref_slice %arg2[%multiple_of3A_427] : memref<504112xi32, #tpu.memory_space<hbm>> -> memref<4112xi32, #tpu.memory_space<hbm>>
        %dma_start3A_435 = tpu.memref_slice %arg2[%multiple_of3A_427] : memref<504112xi32, #tpu.memory_space<hbm>> -> memref<4112xi32, #tpu.memory_space<hbm>>
        tpu.enqueue_dma source(%dma_start3A_435 : memref<4112xi32, #tpu.memory_space<hbm>>) target(%arg8 : memref<4112xi32, #tpu.memory_space<vmem>>) target_semaphore(%run_scoped3A : memref<!tpu.dma_semaphore, #tpu.memory_space<semaphore_mem>>)
        %dma_wait3A = tpu.memref_slice %arg2[%multiple_of3A_427] : memref<504112xi32, #tpu.memory_space<hbm>> -> memref<4112xi32, #tpu.memory_space<hbm>>
        %dma_wait3A_436 = tpu.memref_slice %arg2[%multiple_of3A_427] : memref<504112xi32, #tpu.memory_space<hbm>> -> memref<4112xi32, #tpu.memory_space<hbm>>
        tpu.wait_dma2 semaphore(%run_scoped3A : memref<!tpu.dma_semaphore, #tpu.memory_space<semaphore_mem>>) src(%dma_wait3A_436 : memref<4112xi32, #tpu.memory_space<hbm>>) dst(%arg8 : memref<4112xi32, #tpu.memory_space<vmem>>)
        tpu.yield
      }) : () -> ()
      "tpu.region"() ({
        %run_scoped3A = tpu.sem_alloc : memref<!tpu.dma_semaphore, #tpu.memory_space<semaphore_mem>>
        %dma_start3A = tpu.memref_slice %arg3[%multiple_of3A_427] : memref<504112xf32, #tpu.memory_space<hbm>> -> memref<4096xf32, #tpu.memory_space<hbm>>
        %dma_start3A_435 = tpu.memref_slice %arg3[%multiple_of3A_427] : memref<504112xf32, #tpu.memory_space<hbm>> -> memref<4096xf32, #tpu.memory_space<hbm>>
        tpu.enqueue_dma source(%dma_start3A_435 : memref<4096xf32, #tpu.memory_space<hbm>>) target(%arg9 : memref<4096xf32, #tpu.memory_space<vmem>>) target_semaphore(%run_scoped3A : memref<!tpu.dma_semaphore, #tpu.memory_space<semaphore_mem>>)
        %dma_wait3A = tpu.memref_slice %arg3[%multiple_of3A_427] : memref<504112xf32, #tpu.memory_space<hbm>> -> memref<4096xf32, #tpu.memory_space<hbm>>
        %dma_wait3A_436 = tpu.memref_slice %arg3[%multiple_of3A_427] : memref<504112xf32, #tpu.memory_space<hbm>> -> memref<4096xf32, #tpu.memory_space<hbm>>
        tpu.wait_dma2 semaphore(%run_scoped3A : memref<!tpu.dma_semaphore, #tpu.memory_space<semaphore_mem>>) src(%dma_wait3A_436 : memref<4096xf32, #tpu.memory_space<hbm>>) dst(%arg9 : memref<4096xf32, #tpu.memory_space<vmem>>)
        tpu.yield
      }) : () -> ()
      %scan3A = arith.constant 0 : i32
      %scan3A_428 = arith.constant 0 : i32
      %scan3A_429 = arith.constant 256 : i32
      %scan3A_430 = arith.addi %scan3A_428, %scan3A_429 : i32
      %scan3A_431 = arith.constant 8 : i32
      %scan3A_432 = scf.for %scan3A_435 = %scan3A_428 to %scan3A_430 step %scan3A_431 iter_args(%scan3A_436 = %scan3A) -> (i32)  : i32 {
        %mul3A_437 = arith.constant 16 : i32
        %mul3A_438 = arith.muli %scan3A_435, %mul3A_437 : i32
        %get3A_439 = arith.index_cast %mul3A_438 : i32 to index
        %get3A_440 = tpu.vector_load %arg8[%get3A_439] {strides = array<i32>} : memref<4112xi32, #tpu.memory_space<vmem>>, vector<16xi32>,
        %mul3A_441 = arith.constant 16 : i32
        %mul3A_442 = arith.muli %scan3A_435, %mul3A_441 : i32
        %add3A_443 = arith.constant 1 : i32
        %add3A_444 = arith.addi %mul3A_442, %add3A_443 : i32
        %get3A_445 = arith.index_cast %add3A_444 : i32 to index
        %get3A_446 = tpu.vector_load %arg8[%get3A_445] {strides = array<i32>} : memref<4112xi32, #tpu.memory_space<vmem>>, vector<16xi32>,
        %mul3A_447 = arith.constant 16 : i32
        %mul3A_448 = arith.muli %scan3A_435, %mul3A_447 : i32
        %get3A_449 = arith.index_cast %mul3A_448 : i32 to index
        %get3A_450 = tpu.vector_load %arg9[%get3A_449] {strides = array<i32>} : memref<4096xf32, #tpu.memory_space<vmem>>, vector<16xf32>,
        %ge3A = vector.broadcast %mul3A_209 : i32 to vector<16xi32>
        %ge3A_451 = arith.cmpi sge, %get3A_440, %ge3A : vector<16xi32>
        %add3A_452 = arith.constant 100000 : i32
        %add3A_453 = arith.addi %mul3A_209, %add3A_452 : i32
        %lt3A = vector.broadcast %add3A_453 : i32 to vector<16xi32>
        %lt3A_454 = arith.cmpi slt, %get3A_440, %lt3A : vector<16xi32>
        %and3A_455 = arith.andi %ge3A_451, %lt3A_454 : vector<16xi1>
        %ne3A_456 = arith.cmpi ne, %get3A_440, %get3A_446 : vector<16xi32>
        %and3A_457 = arith.andi %and3A_455, %ne3A_456 : vector<16xi1>
        %sub3A_458 = vector.broadcast %mul3A_209 : i32 to vector<16xi32>
        %sub3A_459 = arith.subi %get3A_440, %sub3A_458 : vector<16xi32>
        %jit3A_460 = arith.constant 0 : i32
        %broadcast_in_dim3A_461 = vector.broadcast %jit3A_460 : i32 to vector<16xi32>
        %select_n3A_462 = arith.select %and3A_457, %sub3A_459, %broadcast_in_dim3A_461 : vector<16xi1>, vector<16xi32>
        tpu.vector_store_idx %arg7[%select_n3A_462], %get3A_450 masked %and3A_457 {add = true} : memref<100000xf32, #tpu.memory_space<vmem>>[vector<16xi32>], vector<16xf32>, vector<16xi1>
        %scan3A_463 = arith.constant 0 : i32
        %scan3A_464 = arith.constant 1 : i32
        %scan3A_465 = arith.addi %scan3A_435, %scan3A_464 : i32
        %mul3A_466 = arith.constant 16 : i32
        %mul3A_467 = arith.muli %scan3A_465, %mul3A_466 : i32
        %get3A_468 = arith.index_cast %mul3A_467 : i32 to index
        %get3A_469 = tpu.vector_load %arg8[%get3A_468] {strides = array<i32>} : memref<4112xi32, #tpu.memory_space<vmem>>, vector<16xi32>,
        %mul3A_470 = arith.constant 16 : i32
        %mul3A_471 = arith.muli %scan3A_465, %mul3A_470 : i32
        %add3A_472 = arith.constant 1 : i32
        %add3A_473 = arith.addi %mul3A_471, %add3A_472 : i32
        %get3A_474 = arith.index_cast %add3A_473 : i32 to index
        %get3A_475 = tpu.vector_load %arg8[%get3A_474] {strides = array<i32>} : memref<4112xi32, #tpu.memory_space<vmem>>, vector<16xi32>,
        %mul3A_476 = arith.constant 16 : i32
        %mul3A_477 = arith.muli %scan3A_465, %mul3A_476 : i32
        %get3A_478 = arith.index_cast %mul3A_477 : i32 to index
        %get3A_479 = tpu.vector_load %arg9[%get3A_478] {strides = array<i32>} : memref<4096xf32, #tpu.memory_space<vmem>>, vector<16xf32>,
        %ge3A_480 = vector.broadcast %mul3A_209 : i32 to vector<16xi32>
        %ge3A_481 = arith.cmpi sge, %get3A_469, %ge3A_480 : vector<16xi32>
        %add3A_482 = arith.constant 100000 : i32
        %add3A_483 = arith.addi %mul3A_209, %add3A_482 : i32
        %lt3A_484 = vector.broadcast %add3A_483 : i32 to vector<16xi32>
        %lt3A_485 = arith.cmpi slt, %get3A_469, %lt3A_484 : vector<16xi32>
        %and3A_486 = arith.andi %ge3A_481, %lt3A_485 : vector<16xi1>
        %ne3A_487 = arith.cmpi ne, %get3A_469, %get3A_475 : vector<16xi32>
        %and3A_488 = arith.andi %and3A_486, %ne3A_487 : vector<16xi1>
        %sub3A_489 = vector.broadcast %mul3A_209 : i32 to vector<16xi32>
        %sub3A_490 = arith.subi %get3A_469, %sub3A_489 : vector<16xi32>
        %jit3A_491 = arith.constant 0 : i32
        %broadcast_in_dim3A_492 = vector.broadcast %jit3A_491 : i32 to vector<16xi32>
        %select_n3A_493 = arith.select %and3A_488, %sub3A_490, %broadcast_in_dim3A_492 : vector<16xi1>, vector<16xi32>
        tpu.vector_store_idx %arg7[%select_n3A_493], %get3A_479 masked %and3A_488 {add = true} : memref<100000xf32, #tpu.memory_space<vmem>>[vector<16xi32>], vector<16xf32>, vector<16xi1>
        %scan3A_494 = arith.constant 0 : i32
        %scan3A_495 = arith.constant 2 : i32
        %scan3A_496 = arith.addi %scan3A_435, %scan3A_495 : i32
        %mul3A_497 = arith.constant 16 : i32
        %mul3A_498 = arith.muli %scan3A_496, %mul3A_497 : i32
        %get3A_499 = arith.index_cast %mul3A_498 : i32 to index
        %get3A_500 = tpu.vector_load %arg8[%get3A_499] {strides = array<i32>} : memref<4112xi32, #tpu.memory_space<vmem>>, vector<16xi32>,
        %mul3A_501 = arith.constant 16 : i32
        %mul3A_502 = arith.muli %scan3A_496, %mul3A_501 : i32
        %add3A_503 = arith.constant 1 : i32
        %add3A_504 = arith.addi %mul3A_502, %add3A_503 : i32
        %get3A_505 = arith.index_cast %add3A_504 : i32 to index
        %get3A_506 = tpu.vector_load %arg8[%get3A_505] {strides = array<i32>} : memref<4112xi32, #tpu.memory_space<vmem>>, vector<16xi32>,
        %mul3A_507 = arith.constant 16 : i32
        %mul3A_508 = arith.muli %scan3A_496, %mul3A_507 : i32
        %get3A_509 = arith.index_cast %mul3A_508 : i32 to index
        %get3A_510 = tpu.vector_load %arg9[%get3A_509] {strides = array<i32>} : memref<4096xf32, #tpu.memory_space<vmem>>, vector<16xf32>,
        %ge3A_511 = vector.broadcast %mul3A_209 : i32 to vector<16xi32>
        %ge3A_512 = arith.cmpi sge, %get3A_500, %ge3A_511 : vector<16xi32>
        %add3A_513 = arith.constant 100000 : i32
        %add3A_514 = arith.addi %mul3A_209, %add3A_513 : i32
        %lt3A_515 = vector.broadcast %add3A_514 : i32 to vector<16xi32>
        %lt3A_516 = arith.cmpi slt, %get3A_500, %lt3A_515 : vector<16xi32>
        %and3A_517 = arith.andi %ge3A_512, %lt3A_516 : vector<16xi1>
        %ne3A_518 = arith.cmpi ne, %get3A_500, %get3A_506 : vector<16xi32>
        %and3A_519 = arith.andi %and3A_517, %ne3A_518 : vector<16xi1>
        %sub3A_520 = vector.broadcast %mul3A_209 : i32 to vector<16xi32>
        %sub3A_521 = arith.subi %get3A_500, %sub3A_520 : vector<16xi32>
        %jit3A_522 = arith.constant 0 : i32
        %broadcast_in_dim3A_523 = vector.broadcast %jit3A_522 : i32 to vector<16xi32>
        %select_n3A_524 = arith.select %and3A_519, %sub3A_521, %broadcast_in_dim3A_523 : vector<16xi1>, vector<16xi32>
        tpu.vector_store_idx %arg7[%select_n3A_524], %get3A_510 masked %and3A_519 {add = true} : memref<100000xf32, #tpu.memory_space<vmem>>[vector<16xi32>], vector<16xf32>, vector<16xi1>
        %scan3A_525 = arith.constant 0 : i32
        %scan3A_526 = arith.constant 3 : i32
        %scan3A_527 = arith.addi %scan3A_435, %scan3A_526 : i32
        %mul3A_528 = arith.constant 16 : i32
        %mul3A_529 = arith.muli %scan3A_527, %mul3A_528 : i32
        %get3A_530 = arith.index_cast %mul3A_529 : i32 to index
        %get3A_531 = tpu.vector_load %arg8[%get3A_530] {strides = array<i32>} : memref<4112xi32, #tpu.memory_space<vmem>>, vector<16xi32>,
        %mul3A_532 = arith.constant 16 : i32
        %mul3A_533 = arith.muli %scan3A_527, %mul3A_532 : i32
        %add3A_534 = arith.constant 1 : i32
        %add3A_535 = arith.addi %mul3A_533, %add3A_534 : i32
        %get3A_536 = arith.index_cast %add3A_535 : i32 to index
        %get3A_537 = tpu.vector_load %arg8[%get3A_536] {strides = array<i32>} : memref<4112xi32, #tpu.memory_space<vmem>>, vector<16xi32>,
        %mul3A_538 = arith.constant 16 : i32
        %mul3A_539 = arith.muli %scan3A_527, %mul3A_538 : i32
        %get3A_540 = arith.index_cast %mul3A_539 : i32 to index
        %get3A_541 = tpu.vector_load %arg9[%get3A_540] {strides = array<i32>} : memref<4096xf32, #tpu.memory_space<vmem>>, vector<16xf32>,
        %ge3A_542 = vector.broadcast %mul3A_209 : i32 to vector<16xi32>
        %ge3A_543 = arith.cmpi sge, %get3A_531, %ge3A_542 : vector<16xi32>
        %add3A_544 = arith.constant 100000 : i32
        %add3A_545 = arith.addi %mul3A_209, %add3A_544 : i32
        %lt3A_546 = vector.broadcast %add3A_545 : i32 to vector<16xi32>
        %lt3A_547 = arith.cmpi slt, %get3A_531, %lt3A_546 : vector<16xi32>
        %and3A_548 = arith.andi %ge3A_543, %lt3A_547 : vector<16xi1>
        %ne3A_549 = arith.cmpi ne, %get3A_531, %get3A_537 : vector<16xi32>
        %and3A_550 = arith.andi %and3A_548, %ne3A_549 : vector<16xi1>
        %sub3A_551 = vector.broadcast %mul3A_209 : i32 to vector<16xi32>
        %sub3A_552 = arith.subi %get3A_531, %sub3A_551 : vector<16xi32>
        %jit3A_553 = arith.constant 0 : i32
        %broadcast_in_dim3A_554 = vector.broadcast %jit3A_553 : i32 to vector<16xi32>
        %select_n3A_555 = arith.select %and3A_550, %sub3A_552, %broadcast_in_dim3A_554 : vector<16xi1>, vector<16xi32>
        tpu.vector_store_idx %arg7[%select_n3A_555], %get3A_541 masked %and3A_550 {add = true} : memref<100000xf32, #tpu.memory_space<vmem>>[vector<16xi32>], vector<16xf32>, vector<16xi1>
        %scan3A_556 = arith.constant 0 : i32
        %scan3A_557 = arith.constant 4 : i32
        %scan3A_558 = arith.addi %scan3A_435, %scan3A_557 : i32
        %mul3A_559 = arith.constant 16 : i32
        %mul3A_560 = arith.muli %scan3A_558, %mul3A_559 : i32
        %get3A_561 = arith.index_cast %mul3A_560 : i32 to index
        %get3A_562 = tpu.vector_load %arg8[%get3A_561] {strides = array<i32>} : memref<4112xi32, #tpu.memory_space<vmem>>, vector<16xi32>,
        %mul3A_563 = arith.constant 16 : i32
        %mul3A_564 = arith.muli %scan3A_558, %mul3A_563 : i32
        %add3A_565 = arith.constant 1 : i32
        %add3A_566 = arith.addi %mul3A_564, %add3A_565 : i32
        %get3A_567 = arith.index_cast %add3A_566 : i32 to index
        %get3A_568 = tpu.vector_load %arg8[%get3A_567] {strides = array<i32>} : memref<4112xi32, #tpu.memory_space<vmem>>, vector<16xi32>,
        %mul3A_569 = arith.constant 16 : i32
        %mul3A_570 = arith.muli %scan3A_558, %mul3A_569 : i32
        %get3A_571 = arith.index_cast %mul3A_570 : i32 to index
        %get3A_572 = tpu.vector_load %arg9[%get3A_571] {strides = array<i32>} : memref<4096xf32, #tpu.memory_space<vmem>>, vector<16xf32>,
        %ge3A_573 = vector.broadcast %mul3A_209 : i32 to vector<16xi32>
        %ge3A_574 = arith.cmpi sge, %get3A_562, %ge3A_573 : vector<16xi32>
        %add3A_575 = arith.constant 100000 : i32
        %add3A_576 = arith.addi %mul3A_209, %add3A_575 : i32
        %lt3A_577 = vector.broadcast %add3A_576 : i32 to vector<16xi32>
        %lt3A_578 = arith.cmpi slt, %get3A_562, %lt3A_577 : vector<16xi32>
        %and3A_579 = arith.andi %ge3A_574, %lt3A_578 : vector<16xi1>
        %ne3A_580 = arith.cmpi ne, %get3A_562, %get3A_568 : vector<16xi32>
        %and3A_581 = arith.andi %and3A_579, %ne3A_580 : vector<16xi1>
        %sub3A_582 = vector.broadcast %mul3A_209 : i32 to vector<16xi32>
        %sub3A_583 = arith.subi %get3A_562, %sub3A_582 : vector<16xi32>
        %jit3A_584 = arith.constant 0 : i32
        %broadcast_in_dim3A_585 = vector.broadcast %jit3A_584 : i32 to vector<16xi32>
        %select_n3A_586 = arith.select %and3A_581, %sub3A_583, %broadcast_in_dim3A_585 : vector<16xi1>, vector<16xi32>
        tpu.vector_store_idx %arg7[%select_n3A_586], %get3A_572 masked %and3A_581 {add = true} : memref<100000xf32, #tpu.memory_space<vmem>>[vector<16xi32>], vector<16xf32>, vector<16xi1>
        %scan3A_587 = arith.constant 0 : i32
        %scan3A_588 = arith.constant 5 : i32
        %scan3A_589 = arith.addi %scan3A_435, %scan3A_588 : i32
        %mul3A_590 = arith.constant 16 : i32
        %mul3A_591 = arith.muli %scan3A_589, %mul3A_590 : i32
        %get3A_592 = arith.index_cast %mul3A_591 : i32 to index
        %get3A_593 = tpu.vector_load %arg8[%get3A_592] {strides = array<i32>} : memref<4112xi32, #tpu.memory_space<vmem>>, vector<16xi32>,
        %mul3A_594 = arith.constant 16 : i32
        %mul3A_595 = arith.muli %scan3A_589, %mul3A_594 : i32
        %add3A_596 = arith.constant 1 : i32
        %add3A_597 = arith.addi %mul3A_595, %add3A_596 : i32
        %get3A_598 = arith.index_cast %add3A_597 : i32 to index
        %get3A_599 = tpu.vector_load %arg8[%get3A_598] {strides = array<i32>} : memref<4112xi32, #tpu.memory_space<vmem>>, vector<16xi32>,
        %mul3A_600 = arith.constant 16 : i32
        %mul3A_601 = arith.muli %scan3A_589, %mul3A_600 : i32
        %get3A_602 = arith.index_cast %mul3A_601 : i32 to index
        %get3A_603 = tpu.vector_load %arg9[%get3A_602] {strides = array<i32>} : memref<4096xf32, #tpu.memory_space<vmem>>, vector<16xf32>,
        %ge3A_604 = vector.broadcast %mul3A_209 : i32 to vector<16xi32>
        %ge3A_605 = arith.cmpi sge, %get3A_593, %ge3A_604 : vector<16xi32>
        %add3A_606 = arith.constant 100000 : i32
        %add3A_607 = arith.addi %mul3A_209, %add3A_606 : i32
        %lt3A_608 = vector.broadcast %add3A_607 : i32 to vector<16xi32>
        %lt3A_609 = arith.cmpi slt, %get3A_593, %lt3A_608 : vector<16xi32>
        %and3A_610 = arith.andi %ge3A_605, %lt3A_609 : vector<16xi1>
        %ne3A_611 = arith.cmpi ne, %get3A_593, %get3A_599 : vector<16xi32>
        %and3A_612 = arith.andi %and3A_610, %ne3A_611 : vector<16xi1>
        %sub3A_613 = vector.broadcast %mul3A_209 : i32 to vector<16xi32>
        %sub3A_614 = arith.subi %get3A_593, %sub3A_613 : vector<16xi32>
        %jit3A_615 = arith.constant 0 : i32
        %broadcast_in_dim3A_616 = vector.broadcast %jit3A_615 : i32 to vector<16xi32>
        %select_n3A_617 = arith.select %and3A_612, %sub3A_614, %broadcast_in_dim3A_616 : vector<16xi1>, vector<16xi32>
        tpu.vector_store_idx %arg7[%select_n3A_617], %get3A_603 masked %and3A_612 {add = true} : memref<100000xf32, #tpu.memory_space<vmem>>[vector<16xi32>], vector<16xf32>, vector<16xi1>
        %scan3A_618 = arith.constant 0 : i32
        %scan3A_619 = arith.constant 6 : i32
        %scan3A_620 = arith.addi %scan3A_435, %scan3A_619 : i32
        %mul3A_621 = arith.constant 16 : i32
        %mul3A_622 = arith.muli %scan3A_620, %mul3A_621 : i32
        %get3A_623 = arith.index_cast %mul3A_622 : i32 to index
        %get3A_624 = tpu.vector_load %arg8[%get3A_623] {strides = array<i32>} : memref<4112xi32, #tpu.memory_space<vmem>>, vector<16xi32>,
        %mul3A_625 = arith.constant 16 : i32
        %mul3A_626 = arith.muli %scan3A_620, %mul3A_625 : i32
        %add3A_627 = arith.constant 1 : i32
        %add3A_628 = arith.addi %mul3A_626, %add3A_627 : i32
        %get3A_629 = arith.index_cast %add3A_628 : i32 to index
        %get3A_630 = tpu.vector_load %arg8[%get3A_629] {strides = array<i32>} : memref<4112xi32, #tpu.memory_space<vmem>>, vector<16xi32>,
        %mul3A_631 = arith.constant 16 : i32
        %mul3A_632 = arith.muli %scan3A_620, %mul3A_631 : i32
        %get3A_633 = arith.index_cast %mul3A_632 : i32 to index
        %get3A_634 = tpu.vector_load %arg9[%get3A_633] {strides = array<i32>} : memref<4096xf32, #tpu.memory_space<vmem>>, vector<16xf32>,
        %ge3A_635 = vector.broadcast %mul3A_209 : i32 to vector<16xi32>
        %ge3A_636 = arith.cmpi sge, %get3A_624, %ge3A_635 : vector<16xi32>
        %add3A_637 = arith.constant 100000 : i32
        %add3A_638 = arith.addi %mul3A_209, %add3A_637 : i32
        %lt3A_639 = vector.broadcast %add3A_638 : i32 to vector<16xi32>
        %lt3A_640 = arith.cmpi slt, %get3A_624, %lt3A_639 : vector<16xi32>
        %and3A_641 = arith.andi %ge3A_636, %lt3A_640 : vector<16xi1>
        %ne3A_642 = arith.cmpi ne, %get3A_624, %get3A_630 : vector<16xi32>
        %and3A_643 = arith.andi %and3A_641, %ne3A_642 : vector<16xi1>
        %sub3A_644 = vector.broadcast %mul3A_209 : i32 to vector<16xi32>
        %sub3A_645 = arith.subi %get3A_624, %sub3A_644 : vector<16xi32>
        %jit3A_646 = arith.constant 0 : i32
        %broadcast_in_dim3A_647 = vector.broadcast %jit3A_646 : i32 to vector<16xi32>
        %select_n3A_648 = arith.select %and3A_643, %sub3A_645, %broadcast_in_dim3A_647 : vector<16xi1>, vector<16xi32>
        tpu.vector_store_idx %arg7[%select_n3A_648], %get3A_634 masked %and3A_643 {add = true} : memref<100000xf32, #tpu.memory_space<vmem>>[vector<16xi32>], vector<16xf32>, vector<16xi1>
        %scan3A_649 = arith.constant 0 : i32
        %scan3A_650 = arith.constant 7 : i32
        %scan3A_651 = arith.addi %scan3A_435, %scan3A_650 : i32
        %mul3A_652 = arith.constant 16 : i32
        %mul3A_653 = arith.muli %scan3A_651, %mul3A_652 : i32
        %get3A_654 = arith.index_cast %mul3A_653 : i32 to index
        %get3A_655 = tpu.vector_load %arg8[%get3A_654] {strides = array<i32>} : memref<4112xi32, #tpu.memory_space<vmem>>, vector<16xi32>,
        %mul3A_656 = arith.constant 16 : i32
        %mul3A_657 = arith.muli %scan3A_651, %mul3A_656 : i32
        %add3A_658 = arith.constant 1 : i32
        %add3A_659 = arith.addi %mul3A_657, %add3A_658 : i32
        %get3A_660 = arith.index_cast %add3A_659 : i32 to index
        %get3A_661 = tpu.vector_load %arg8[%get3A_660] {strides = array<i32>} : memref<4112xi32, #tpu.memory_space<vmem>>, vector<16xi32>,
        %mul3A_662 = arith.constant 16 : i32
        %mul3A_663 = arith.muli %scan3A_651, %mul3A_662 : i32
        %get3A_664 = arith.index_cast %mul3A_663 : i32 to index
        %get3A_665 = tpu.vector_load %arg9[%get3A_664] {strides = array<i32>} : memref<4096xf32, #tpu.memory_space<vmem>>, vector<16xf32>,
        %ge3A_666 = vector.broadcast %mul3A_209 : i32 to vector<16xi32>
        %ge3A_667 = arith.cmpi sge, %get3A_655, %ge3A_666 : vector<16xi32>
        %add3A_668 = arith.constant 100000 : i32
        %add3A_669 = arith.addi %mul3A_209, %add3A_668 : i32
        %lt3A_670 = vector.broadcast %add3A_669 : i32 to vector<16xi32>
        %lt3A_671 = arith.cmpi slt, %get3A_655, %lt3A_670 : vector<16xi32>
        %and3A_672 = arith.andi %ge3A_667, %lt3A_671 : vector<16xi1>
        %ne3A_673 = arith.cmpi ne, %get3A_655, %get3A_661 : vector<16xi32>
        %and3A_674 = arith.andi %and3A_672, %ne3A_673 : vector<16xi1>
        %sub3A_675 = vector.broadcast %mul3A_209 : i32 to vector<16xi32>
        %sub3A_676 = arith.subi %get3A_655, %sub3A_675 : vector<16xi32>
        %jit3A_677 = arith.constant 0 : i32
        %broadcast_in_dim3A_678 = vector.broadcast %jit3A_677 : i32 to vector<16xi32>
        %select_n3A_679 = arith.select %and3A_674, %sub3A_676, %broadcast_in_dim3A_678 : vector<16xi1>, vector<16xi32>
        tpu.vector_store_idx %arg7[%select_n3A_679], %get3A_665 masked %and3A_674 {add = true} : memref<100000xf32, #tpu.memory_space<vmem>>[vector<16xi32>], vector<16xf32>, vector<16xi1>
        %scan3A_680 = arith.constant 0 : i32
        scf.yield %scan3A_680 : i32
      }
      %scan3A_433 = arith.constant 256 : i32
      %while3A_434 = arith.constant 0 : i32
      scf.yield %while3A_434 : i32
    }
    %multiple_of3A_421 = tpu.assume_multiple %mul3A_209, 8 : i32
    "tpu.region"() ({
      %run_scoped3A = tpu.sem_alloc : memref<!tpu.dma_semaphore, #tpu.memory_space<semaphore_mem>>
      %dma_start3A = tpu.memref_slice %arg6[%multiple_of3A_421] : memref<6400000xf32, #tpu.memory_space<hbm>> -> memref<100000xf32, #tpu.memory_space<hbm>>
      %dma_start3A_422 = tpu.memref_slice %arg6[%multiple_of3A_421] : memref<6400000xf32, #tpu.memory_space<hbm>> -> memref<100000xf32, #tpu.memory_space<hbm>>
      tpu.enqueue_dma source(%arg7 : memref<100000xf32, #tpu.memory_space<vmem>>) target(%dma_start3A_422 : memref<100000xf32, #tpu.memory_space<hbm>>) target_semaphore(%run_scoped3A : memref<!tpu.dma_semaphore, #tpu.memory_space<semaphore_mem>>)
      %dma_wait3A = tpu.memref_slice %arg6[%multiple_of3A_421] : memref<6400000xf32, #tpu.memory_space<hbm>> -> memref<100000xf32, #tpu.memory_space<hbm>>
      %dma_wait3A_423 = tpu.memref_slice %arg6[%multiple_of3A_421] : memref<6400000xf32, #tpu.memory_space<hbm>> -> memref<100000xf32, #tpu.memory_space<hbm>>
      tpu.wait_dma2 semaphore(%run_scoped3A : memref<!tpu.dma_semaphore, #tpu.memory_space<semaphore_mem>>) src(%arg7 : memref<100000xf32, #tpu.memory_space<vmem>>) dst(%dma_wait3A_423 : memref<100000xf32, #tpu.memory_space<hbm>>)
      tpu.yield
    }) : () -> ()
    return
  }
}

module attributes {stable_mosaic.version = 14 : i64} {
  func.func @_dense_body(%arg0: i32, %arg1: memref<32x500000xf32, #tpu.memory_space<any>>, %arg2: memref<32x8480xf32, #tpu.memory_space<vmem>>, %arg3: memref<24x32xf32, #tpu.memory_space<vmem>>, %arg4: memref<8x16xf32, #tpu.memory_space<vmem>>, %arg5: memref<128x16xf32, #tpu.memory_space<vmem>>, %arg6: memref<128x1xf32, #tpu.memory_space<vmem>>, %arg7: memref<8x128xf32, #tpu.memory_space<vmem>>, %arg8: memref<1x1xf32, #tpu.memory_space<vmem>>, %arg9: memref<8x2048xf32, #tpu.memory_space<vmem>>, %arg10: memref<4x32x16384xf32, #tpu.memory_space<vmem>>, %arg11: memref<4x4x!tpu.dma_semaphore, #tpu.memory_space<semaphore_mem>>) attributes {dimension_semantics = [#tpu.dimension_semantics<arbitrary>], iteration_bounds = array<i64: 31>, scalar_prefetch = 0 : i64, scratch_operands = 2 : i64, tpu.core_type = #tpu.core_type<tc>, window_params = [{}, {pipeline_mode = #tpu.pipeline_mode<synchronous>, transform_indices = @transform_1, window_bounds = array<i64: 32, 8480>}, {pipeline_mode = #tpu.pipeline_mode<synchronous>, transform_indices = @transform_2, window_bounds = array<i64: 24, 32>}, {pipeline_mode = #tpu.pipeline_mode<synchronous>, transform_indices = @transform_3, window_bounds = array<i64: 8, 16>}, {pipeline_mode = #tpu.pipeline_mode<synchronous>, transform_indices = @transform_4, window_bounds = array<i64: 128, 16>}, {pipeline_mode = #tpu.pipeline_mode<synchronous>, transform_indices = @transform_5, window_bounds = array<i64: 128, 1>}, {pipeline_mode = #tpu.pipeline_mode<synchronous>, transform_indices = @transform_6, window_bounds = array<i64: 8, 128>}, {pipeline_mode = #tpu.pipeline_mode<synchronous>, transform_indices = @transform_7, window_bounds = array<i64: 1, 1>}, {transform_indices = @transform_8, window_bounds = array<i64: 8, 2048>}]} {
    %eq3A = arith.constant 0 : i32
    %eq3A_0 = arith.cmpi eq, %arg0, %eq3A : i32
    %convert_element_type3A = arith.extui %eq3A_0 : i1 to i32
    %cond3A = arith.constant 0 : i32
    %cond3A_1 = arith.cmpi ne, %convert_element_type3A, %cond3A : i32
    scf.if %cond3A_1 {
      %dma_start3A = arith.constant 0 : i32
      %dma_start3A_18 = arith.constant 0 : i32
      %dma_start3A_19 = arith.constant 0 : i32
      %dma_start3A_20 = tpu.memref_slice %arg11[%dma_start3A_18, %dma_start3A_19] : memref<4x4x!tpu.dma_semaphore, #tpu.memory_space<semaphore_mem>> -> memref<1x1x!tpu.dma_semaphore, #tpu.memory_space<semaphore_mem>>
      %dma_start3A_21 = tpu.memref_squeeze %dma_start3A_20 : memref<1x1x!tpu.dma_semaphore, #tpu.memory_space<semaphore_mem>> -> memref<!tpu.dma_semaphore, #tpu.memory_space<semaphore_mem>>
      %dma_start3A_22 = arith.constant 0 : i32
      %dma_start3A_23 = arith.constant 0 : i32
      %dma_start3A_24 = tpu.memref_slice %arg10[%dma_start3A, %dma_start3A_22, %dma_start3A_23] : memref<4x32x16384xf32, #tpu.memory_space<vmem>> -> memref<1x8x16384xf32, #tpu.memory_space<vmem>>
      %dma_start3A_25 = tpu.memref_squeeze %dma_start3A_24 : memref<1x8x16384xf32, #tpu.memory_space<vmem>> -> memref<8x16384xf32, #tpu.memory_space<vmem>>
      %dma_start3A_26 = arith.constant 0 : i32
      %dma_start3A_27 = arith.constant 0 : i32
      %dma_start3A_28 = tpu.memref_slice %arg1[%dma_start3A_26, %dma_start3A_27] : memref<32x500000xf32, #tpu.memory_space<any>> -> memref<8x16384xf32, #tpu.memory_space<any>>
      tpu.enqueue_dma source(%dma_start3A_28 : memref<8x16384xf32, #tpu.memory_space<any>>) target(%dma_start3A_25 : memref<8x16384xf32, #tpu.memory_space<vmem>>) target_semaphore(%dma_start3A_21 : memref<!tpu.dma_semaphore, #tpu.memory_space<semaphore_mem>>)
      %dma_start3A_29 = arith.constant 0 : i32
      %dma_start3A_30 = arith.constant 0 : i32
      %dma_start3A_31 = arith.constant 1 : i32
      %dma_start3A_32 = tpu.memref_slice %arg11[%dma_start3A_30, %dma_start3A_31] : memref<4x4x!tpu.dma_semaphore, #tpu.memory_space<semaphore_mem>> -> memref<1x1x!tpu.dma_semaphore, #tpu.memory_space<semaphore_mem>>
      %dma_start3A_33 = tpu.memref_squeeze %dma_start3A_32 : memref<1x1x!tpu.dma_semaphore, #tpu.memory_space<semaphore_mem>> -> memref<!tpu.dma_semaphore, #tpu.memory_space<semaphore_mem>>
      %dma_start3A_34 = arith.constant 8 : i32
      %dma_start3A_35 = arith.constant 0 : i32
      %dma_start3A_36 = tpu.memref_slice %arg10[%dma_start3A_29, %dma_start3A_34, %dma_start3A_35] : memref<4x32x16384xf32, #tpu.memory_space<vmem>> -> memref<1x8x16384xf32, #tpu.memory_space<vmem>>
      %dma_start3A_37 = tpu.memref_squeeze %dma_start3A_36 : memref<1x8x16384xf32, #tpu.memory_space<vmem>> -> memref<8x16384xf32, #tpu.memory_space<vmem>>
      %dma_start3A_38 = arith.constant 8 : i32
      %dma_start3A_39 = arith.constant 0 : i32
      %dma_start3A_40 = tpu.memref_slice %arg1[%dma_start3A_38, %dma_start3A_39] : memref<32x500000xf32, #tpu.memory_space<any>> -> memref<8x16384xf32, #tpu.memory_space<any>>
      tpu.enqueue_dma source(%dma_start3A_40 : memref<8x16384xf32, #tpu.memory_space<any>>) target(%dma_start3A_37 : memref<8x16384xf32, #tpu.memory_space<vmem>>) target_semaphore(%dma_start3A_33 : memref<!tpu.dma_semaphore, #tpu.memory_space<semaphore_mem>>)
      %dma_start3A_41 = arith.constant 0 : i32
      %dma_start3A_42 = arith.constant 0 : i32
      %dma_start3A_43 = arith.constant 2 : i32
      %dma_start3A_44 = tpu.memref_slice %arg11[%dma_start3A_42, %dma_start3A_43] : memref<4x4x!tpu.dma_semaphore, #tpu.memory_space<semaphore_mem>> -> memref<1x1x!tpu.dma_semaphore, #tpu.memory_space<semaphore_mem>>
      %dma_start3A_45 = tpu.memref_squeeze %dma_start3A_44 : memref<1x1x!tpu.dma_semaphore, #tpu.memory_space<semaphore_mem>> -> memref<!tpu.dma_semaphore, #tpu.memory_space<semaphore_mem>>
      %dma_start3A_46 = arith.constant 16 : i32
      %dma_start3A_47 = arith.constant 0 : i32
      %dma_start3A_48 = tpu.memref_slice %arg10[%dma_start3A_41, %dma_start3A_46, %dma_start3A_47] : memref<4x32x16384xf32, #tpu.memory_space<vmem>> -> memref<1x8x16384xf32, #tpu.memory_space<vmem>>
      %dma_start3A_49 = tpu.memref_squeeze %dma_start3A_48 : memref<1x8x16384xf32, #tpu.memory_space<vmem>> -> memref<8x16384xf32, #tpu.memory_space<vmem>>
      %dma_start3A_50 = arith.constant 16 : i32
      %dma_start3A_51 = arith.constant 0 : i32
      %dma_start3A_52 = tpu.memref_slice %arg1[%dma_start3A_50, %dma_start3A_51] : memref<32x500000xf32, #tpu.memory_space<any>> -> memref<8x16384xf32, #tpu.memory_space<any>>
      tpu.enqueue_dma source(%dma_start3A_52 : memref<8x16384xf32, #tpu.memory_space<any>>) target(%dma_start3A_49 : memref<8x16384xf32, #tpu.memory_space<vmem>>) target_semaphore(%dma_start3A_45 : memref<!tpu.dma_semaphore, #tpu.memory_space<semaphore_mem>>)
      %dma_start3A_53 = arith.constant 0 : i32
      %dma_start3A_54 = arith.constant 0 : i32
      %dma_start3A_55 = arith.constant 3 : i32
      %dma_start3A_56 = tpu.memref_slice %arg11[%dma_start3A_54, %dma_start3A_55] : memref<4x4x!tpu.dma_semaphore, #tpu.memory_space<semaphore_mem>> -> memref<1x1x!tpu.dma_semaphore, #tpu.memory_space<semaphore_mem>>
      %dma_start3A_57 = tpu.memref_squeeze %dma_start3A_56 : memref<1x1x!tpu.dma_semaphore, #tpu.memory_space<semaphore_mem>> -> memref<!tpu.dma_semaphore, #tpu.memory_space<semaphore_mem>>
      %dma_start3A_58 = arith.constant 24 : i32
      %dma_start3A_59 = arith.constant 0 : i32
      %dma_start3A_60 = tpu.memref_slice %arg10[%dma_start3A_53, %dma_start3A_58, %dma_start3A_59] : memref<4x32x16384xf32, #tpu.memory_space<vmem>> -> memref<1x8x16384xf32, #tpu.memory_space<vmem>>
      %dma_start3A_61 = tpu.memref_squeeze %dma_start3A_60 : memref<1x8x16384xf32, #tpu.memory_space<vmem>> -> memref<8x16384xf32, #tpu.memory_space<vmem>>
      %dma_start3A_62 = arith.constant 24 : i32
      %dma_start3A_63 = arith.constant 0 : i32
      %dma_start3A_64 = tpu.memref_slice %arg1[%dma_start3A_62, %dma_start3A_63] : memref<32x500000xf32, #tpu.memory_space<any>> -> memref<8x16384xf32, #tpu.memory_space<any>>
      tpu.enqueue_dma source(%dma_start3A_64 : memref<8x16384xf32, #tpu.memory_space<any>>) target(%dma_start3A_61 : memref<8x16384xf32, #tpu.memory_space<vmem>>) target_semaphore(%dma_start3A_57 : memref<!tpu.dma_semaphore, #tpu.memory_space<semaphore_mem>>)
      %dma_start3A_65 = arith.constant 1 : i32
      %dma_start3A_66 = arith.constant 1 : i32
      %dma_start3A_67 = arith.constant 0 : i32
      %dma_start3A_68 = tpu.memref_slice %arg11[%dma_start3A_66, %dma_start3A_67] : memref<4x4x!tpu.dma_semaphore, #tpu.memory_space<semaphore_mem>> -> memref<1x1x!tpu.dma_semaphore, #tpu.memory_space<semaphore_mem>>
      %dma_start3A_69 = tpu.memref_squeeze %dma_start3A_68 : memref<1x1x!tpu.dma_semaphore, #tpu.memory_space<semaphore_mem>> -> memref<!tpu.dma_semaphore, #tpu.memory_space<semaphore_mem>>
      %dma_start3A_70 = arith.constant 0 : i32
      %dma_start3A_71 = arith.constant 0 : i32
      %dma_start3A_72 = tpu.memref_slice %arg10[%dma_start3A_65, %dma_start3A_70, %dma_start3A_71] : memref<4x32x16384xf32, #tpu.memory_space<vmem>> -> memref<1x8x16384xf32, #tpu.memory_space<vmem>>
      %dma_start3A_73 = tpu.memref_squeeze %dma_start3A_72 : memref<1x8x16384xf32, #tpu.memory_space<vmem>> -> memref<8x16384xf32, #tpu.memory_space<vmem>>
      %dma_start3A_74 = arith.constant 0 : i32
      %dma_start3A_75 = arith.constant 16384 : i32
      %dma_start3A_76 = tpu.memref_slice %arg1[%dma_start3A_74, %dma_start3A_75] : memref<32x500000xf32, #tpu.memory_space<any>> -> memref<8x16384xf32, #tpu.memory_space<any>>
      tpu.enqueue_dma source(%dma_start3A_76 : memref<8x16384xf32, #tpu.memory_space<any>>) target(%dma_start3A_73 : memref<8x16384xf32, #tpu.memory_space<vmem>>) target_semaphore(%dma_start3A_69 : memref<!tpu.dma_semaphore, #tpu.memory_space<semaphore_mem>>)
      %dma_start3A_77 = arith.constant 1 : i32
      %dma_start3A_78 = arith.constant 1 : i32
      %dma_start3A_79 = arith.constant 1 : i32
      %dma_start3A_80 = tpu.memref_slice %arg11[%dma_start3A_78, %dma_start3A_79] : memref<4x4x!tpu.dma_semaphore, #tpu.memory_space<semaphore_mem>> -> memref<1x1x!tpu.dma_semaphore, #tpu.memory_space<semaphore_mem>>
      %dma_start3A_81 = tpu.memref_squeeze %dma_start3A_80 : memref<1x1x!tpu.dma_semaphore, #tpu.memory_space<semaphore_mem>> -> memref<!tpu.dma_semaphore, #tpu.memory_space<semaphore_mem>>
      %dma_start3A_82 = arith.constant 8 : i32
      %dma_start3A_83 = arith.constant 0 : i32
      %dma_start3A_84 = tpu.memref_slice %arg10[%dma_start3A_77, %dma_start3A_82, %dma_start3A_83] : memref<4x32x16384xf32, #tpu.memory_space<vmem>> -> memref<1x8x16384xf32, #tpu.memory_space<vmem>>
      %dma_start3A_85 = tpu.memref_squeeze %dma_start3A_84 : memref<1x8x16384xf32, #tpu.memory_space<vmem>> -> memref<8x16384xf32, #tpu.memory_space<vmem>>
      %dma_start3A_86 = arith.constant 8 : i32
      %dma_start3A_87 = arith.constant 16384 : i32
      %dma_start3A_88 = tpu.memref_slice %arg1[%dma_start3A_86, %dma_start3A_87] : memref<32x500000xf32, #tpu.memory_space<any>> -> memref<8x16384xf32, #tpu.memory_space<any>>
      tpu.enqueue_dma source(%dma_start3A_88 : memref<8x16384xf32, #tpu.memory_space<any>>) target(%dma_start3A_85 : memref<8x16384xf32, #tpu.memory_space<vmem>>) target_semaphore(%dma_start3A_81 : memref<!tpu.dma_semaphore, #tpu.memory_space<semaphore_mem>>)
      %dma_start3A_89 = arith.constant 1 : i32
      %dma_start3A_90 = arith.constant 1 : i32
      %dma_start3A_91 = arith.constant 2 : i32
      %dma_start3A_92 = tpu.memref_slice %arg11[%dma_start3A_90, %dma_start3A_91] : memref<4x4x!tpu.dma_semaphore, #tpu.memory_space<semaphore_mem>> -> memref<1x1x!tpu.dma_semaphore, #tpu.memory_space<semaphore_mem>>
      %dma_start3A_93 = tpu.memref_squeeze %dma_start3A_92 : memref<1x1x!tpu.dma_semaphore, #tpu.memory_space<semaphore_mem>> -> memref<!tpu.dma_semaphore, #tpu.memory_space<semaphore_mem>>
      %dma_start3A_94 = arith.constant 16 : i32
      %dma_start3A_95 = arith.constant 0 : i32
      %dma_start3A_96 = tpu.memref_slice %arg10[%dma_start3A_89, %dma_start3A_94, %dma_start3A_95] : memref<4x32x16384xf32, #tpu.memory_space<vmem>> -> memref<1x8x16384xf32, #tpu.memory_space<vmem>>
      %dma_start3A_97 = tpu.memref_squeeze %dma_start3A_96 : memref<1x8x16384xf32, #tpu.memory_space<vmem>> -> memref<8x16384xf32, #tpu.memory_space<vmem>>
      %dma_start3A_98 = arith.constant 16 : i32
      %dma_start3A_99 = arith.constant 16384 : i32
      %dma_start3A_100 = tpu.memref_slice %arg1[%dma_start3A_98, %dma_start3A_99] : memref<32x500000xf32, #tpu.memory_space<any>> -> memref<8x16384xf32, #tpu.memory_space<any>>
      tpu.enqueue_dma source(%dma_start3A_100 : memref<8x16384xf32, #tpu.memory_space<any>>) target(%dma_start3A_97 : memref<8x16384xf32, #tpu.memory_space<vmem>>) target_semaphore(%dma_start3A_93 : memref<!tpu.dma_semaphore, #tpu.memory_space<semaphore_mem>>)
      %dma_start3A_101 = arith.constant 1 : i32
      %dma_start3A_102 = arith.constant 1 : i32
      %dma_start3A_103 = arith.constant 3 : i32
      %dma_start3A_104 = tpu.memref_slice %arg11[%dma_start3A_102, %dma_start3A_103] : memref<4x4x!tpu.dma_semaphore, #tpu.memory_space<semaphore_mem>> -> memref<1x1x!tpu.dma_semaphore, #tpu.memory_space<semaphore_mem>>
      %dma_start3A_105 = tpu.memref_squeeze %dma_start3A_104 : memref<1x1x!tpu.dma_semaphore, #tpu.memory_space<semaphore_mem>> -> memref<!tpu.dma_semaphore, #tpu.memory_space<semaphore_mem>>
      %dma_start3A_106 = arith.constant 24 : i32
      %dma_start3A_107 = arith.constant 0 : i32
      %dma_start3A_108 = tpu.memref_slice %arg10[%dma_start3A_101, %dma_start3A_106, %dma_start3A_107] : memref<4x32x16384xf32, #tpu.memory_space<vmem>> -> memref<1x8x16384xf32, #tpu.memory_space<vmem>>
      %dma_start3A_109 = tpu.memref_squeeze %dma_start3A_108 : memref<1x8x16384xf32, #tpu.memory_space<vmem>> -> memref<8x16384xf32, #tpu.memory_space<vmem>>
      %dma_start3A_110 = arith.constant 24 : i32
      %dma_start3A_111 = arith.constant 16384 : i32
      %dma_start3A_112 = tpu.memref_slice %arg1[%dma_start3A_110, %dma_start3A_111] : memref<32x500000xf32, #tpu.memory_space<any>> -> memref<8x16384xf32, #tpu.memory_space<any>>
      tpu.enqueue_dma source(%dma_start3A_112 : memref<8x16384xf32, #tpu.memory_space<any>>) target(%dma_start3A_109 : memref<8x16384xf32, #tpu.memory_space<vmem>>) target_semaphore(%dma_start3A_105 : memref<!tpu.dma_semaphore, #tpu.memory_space<semaphore_mem>>)
      %dma_start3A_113 = arith.constant 2 : i32
      %dma_start3A_114 = arith.constant 2 : i32
      %dma_start3A_115 = arith.constant 0 : i32
      %dma_start3A_116 = tpu.memref_slice %arg11[%dma_start3A_114, %dma_start3A_115] : memref<4x4x!tpu.dma_semaphore, #tpu.memory_space<semaphore_mem>> -> memref<1x1x!tpu.dma_semaphore, #tpu.memory_space<semaphore_mem>>
      %dma_start3A_117 = tpu.memref_squeeze %dma_start3A_116 : memref<1x1x!tpu.dma_semaphore, #tpu.memory_space<semaphore_mem>> -> memref<!tpu.dma_semaphore, #tpu.memory_space<semaphore_mem>>
      %dma_start3A_118 = arith.constant 0 : i32
      %dma_start3A_119 = arith.constant 0 : i32
      %dma_start3A_120 = tpu.memref_slice %arg10[%dma_start3A_113, %dma_start3A_118, %dma_start3A_119] : memref<4x32x16384xf32, #tpu.memory_space<vmem>> -> memref<1x8x16384xf32, #tpu.memory_space<vmem>>
      %dma_start3A_121 = tpu.memref_squeeze %dma_start3A_120 : memref<1x8x16384xf32, #tpu.memory_space<vmem>> -> memref<8x16384xf32, #tpu.memory_space<vmem>>
      %dma_start3A_122 = arith.constant 0 : i32
      %dma_start3A_123 = arith.constant 32768 : i32
      %dma_start3A_124 = tpu.memref_slice %arg1[%dma_start3A_122, %dma_start3A_123] : memref<32x500000xf32, #tpu.memory_space<any>> -> memref<8x16384xf32, #tpu.memory_space<any>>
      tpu.enqueue_dma source(%dma_start3A_124 : memref<8x16384xf32, #tpu.memory_space<any>>) target(%dma_start3A_121 : memref<8x16384xf32, #tpu.memory_space<vmem>>) target_semaphore(%dma_start3A_117 : memref<!tpu.dma_semaphore, #tpu.memory_space<semaphore_mem>>)
      %dma_start3A_125 = arith.constant 2 : i32
      %dma_start3A_126 = arith.constant 2 : i32
      %dma_start3A_127 = arith.constant 1 : i32
      %dma_start3A_128 = tpu.memref_slice %arg11[%dma_start3A_126, %dma_start3A_127] : memref<4x4x!tpu.dma_semaphore, #tpu.memory_space<semaphore_mem>> -> memref<1x1x!tpu.dma_semaphore, #tpu.memory_space<semaphore_mem>>
      %dma_start3A_129 = tpu.memref_squeeze %dma_start3A_128 : memref<1x1x!tpu.dma_semaphore, #tpu.memory_space<semaphore_mem>> -> memref<!tpu.dma_semaphore, #tpu.memory_space<semaphore_mem>>
      %dma_start3A_130 = arith.constant 8 : i32
      %dma_start3A_131 = arith.constant 0 : i32
      %dma_start3A_132 = tpu.memref_slice %arg10[%dma_start3A_125, %dma_start3A_130, %dma_start3A_131] : memref<4x32x16384xf32, #tpu.memory_space<vmem>> -> memref<1x8x16384xf32, #tpu.memory_space<vmem>>
      %dma_start3A_133 = tpu.memref_squeeze %dma_start3A_132 : memref<1x8x16384xf32, #tpu.memory_space<vmem>> -> memref<8x16384xf32, #tpu.memory_space<vmem>>
      %dma_start3A_134 = arith.constant 8 : i32
      %dma_start3A_135 = arith.constant 32768 : i32
      %dma_start3A_136 = tpu.memref_slice %arg1[%dma_start3A_134, %dma_start3A_135] : memref<32x500000xf32, #tpu.memory_space<any>> -> memref<8x16384xf32, #tpu.memory_space<any>>
      tpu.enqueue_dma source(%dma_start3A_136 : memref<8x16384xf32, #tpu.memory_space<any>>) target(%dma_start3A_133 : memref<8x16384xf32, #tpu.memory_space<vmem>>) target_semaphore(%dma_start3A_129 : memref<!tpu.dma_semaphore, #tpu.memory_space<semaphore_mem>>)
      %dma_start3A_137 = arith.constant 2 : i32
      %dma_start3A_138 = arith.constant 2 : i32
      %dma_start3A_139 = arith.constant 2 : i32
      %dma_start3A_140 = tpu.memref_slice %arg11[%dma_start3A_138, %dma_start3A_139] : memref<4x4x!tpu.dma_semaphore, #tpu.memory_space<semaphore_mem>> -> memref<1x1x!tpu.dma_semaphore, #tpu.memory_space<semaphore_mem>>
      %dma_start3A_141 = tpu.memref_squeeze %dma_start3A_140 : memref<1x1x!tpu.dma_semaphore, #tpu.memory_space<semaphore_mem>> -> memref<!tpu.dma_semaphore, #tpu.memory_space<semaphore_mem>>
      %dma_start3A_142 = arith.constant 16 : i32
      %dma_start3A_143 = arith.constant 0 : i32
      %dma_start3A_144 = tpu.memref_slice %arg10[%dma_start3A_137, %dma_start3A_142, %dma_start3A_143] : memref<4x32x16384xf32, #tpu.memory_space<vmem>> -> memref<1x8x16384xf32, #tpu.memory_space<vmem>>
      %dma_start3A_145 = tpu.memref_squeeze %dma_start3A_144 : memref<1x8x16384xf32, #tpu.memory_space<vmem>> -> memref<8x16384xf32, #tpu.memory_space<vmem>>
      %dma_start3A_146 = arith.constant 16 : i32
      %dma_start3A_147 = arith.constant 32768 : i32
      %dma_start3A_148 = tpu.memref_slice %arg1[%dma_start3A_146, %dma_start3A_147] : memref<32x500000xf32, #tpu.memory_space<any>> -> memref<8x16384xf32, #tpu.memory_space<any>>
      tpu.enqueue_dma source(%dma_start3A_148 : memref<8x16384xf32, #tpu.memory_space<any>>) target(%dma_start3A_145 : memref<8x16384xf32, #tpu.memory_space<vmem>>) target_semaphore(%dma_start3A_141 : memref<!tpu.dma_semaphore, #tpu.memory_space<semaphore_mem>>)
      %dma_start3A_149 = arith.constant 2 : i32
      %dma_start3A_150 = arith.constant 2 : i32
      %dma_start3A_151 = arith.constant 3 : i32
      %dma_start3A_152 = tpu.memref_slice %arg11[%dma_start3A_150, %dma_start3A_151] : memref<4x4x!tpu.dma_semaphore, #tpu.memory_space<semaphore_mem>> -> memref<1x1x!tpu.dma_semaphore, #tpu.memory_space<semaphore_mem>>
      %dma_start3A_153 = tpu.memref_squeeze %dma_start3A_152 : memref<1x1x!tpu.dma_semaphore, #tpu.memory_space<semaphore_mem>> -> memref<!tpu.dma_semaphore, #tpu.memory_space<semaphore_mem>>
      %dma_start3A_154 = arith.constant 24 : i32
      %dma_start3A_155 = arith.constant 0 : i32
      %dma_start3A_156 = tpu.memref_slice %arg10[%dma_start3A_149, %dma_start3A_154, %dma_start3A_155] : memref<4x32x16384xf32, #tpu.memory_space<vmem>> -> memref<1x8x16384xf32, #tpu.memory_space<vmem>>
      %dma_start3A_157 = tpu.memref_squeeze %dma_start3A_156 : memref<1x8x16384xf32, #tpu.memory_space<vmem>> -> memref<8x16384xf32, #tpu.memory_space<vmem>>
      %dma_start3A_158 = arith.constant 24 : i32
      %dma_start3A_159 = arith.constant 32768 : i32
      %dma_start3A_160 = tpu.memref_slice %arg1[%dma_start3A_158, %dma_start3A_159] : memref<32x500000xf32, #tpu.memory_space<any>> -> memref<8x16384xf32, #tpu.memory_space<any>>
      tpu.enqueue_dma source(%dma_start3A_160 : memref<8x16384xf32, #tpu.memory_space<any>>) target(%dma_start3A_157 : memref<8x16384xf32, #tpu.memory_space<vmem>>) target_semaphore(%dma_start3A_153 : memref<!tpu.dma_semaphore, #tpu.memory_space<semaphore_mem>>)
    } else {
    }
    %add3A = arith.constant 4 : i32
    %add3A_2 = arith.addi %arg0, %add3A : i32
    %sub3A = arith.constant 1 : i32
    %sub3A_3 = arith.subi %add3A_2, %sub3A : i32
    %lt3A = arith.constant 30 : i32
    %lt3A_4 = arith.cmpi slt, %sub3A_3, %lt3A : i32
    %convert_element_type3A_5 = arith.extui %lt3A_4 : i1 to i32
    %cond3A_6 = arith.constant 0 : i32
    %cond3A_7 = arith.cmpi ne, %convert_element_type3A_5, %cond3A_6 : i32
    scf.if %cond3A_7 {
      %rem3A = arith.constant 4 : i32
      %rem3A_18 = arith.remsi %sub3A_3, %rem3A : i32
      %mul3A = arith.constant 16384 : i32
      %mul3A_19 = arith.muli %sub3A_3, %mul3A : i32
      %dma_start3A = arith.constant 0 : i32
      %dma_start3A_20 = tpu.memref_slice %arg11[%rem3A_18, %dma_start3A] : memref<4x4x!tpu.dma_semaphore, #tpu.memory_space<semaphore_mem>> -> memref<1x1x!tpu.dma_semaphore, #tpu.memory_space<semaphore_mem>>
      %dma_start3A_21 = tpu.memref_squeeze %dma_start3A_20 : memref<1x1x!tpu.dma_semaphore, #tpu.memory_space<semaphore_mem>> -> memref<!tpu.dma_semaphore, #tpu.memory_space<semaphore_mem>>
      %dma_start3A_22 = arith.constant 0 : i32
      %dma_start3A_23 = arith.constant 0 : i32
      %dma_start3A_24 = tpu.memref_slice %arg10[%rem3A_18, %dma_start3A_22, %dma_start3A_23] : memref<4x32x16384xf32, #tpu.memory_space<vmem>> -> memref<1x8x16384xf32, #tpu.memory_space<vmem>>
      %dma_start3A_25 = tpu.memref_squeeze %dma_start3A_24 : memref<1x8x16384xf32, #tpu.memory_space<vmem>> -> memref<8x16384xf32, #tpu.memory_space<vmem>>
      %dma_start3A_26 = arith.constant 0 : i32
      %dma_start3A_27 = tpu.memref_slice %arg1[%dma_start3A_26, %mul3A_19] : memref<32x500000xf32, #tpu.memory_space<any>> -> memref<8x16384xf32, #tpu.memory_space<any>>
      tpu.enqueue_dma source(%dma_start3A_27 : memref<8x16384xf32, #tpu.memory_space<any>>) target(%dma_start3A_25 : memref<8x16384xf32, #tpu.memory_space<vmem>>) target_semaphore(%dma_start3A_21 : memref<!tpu.dma_semaphore, #tpu.memory_space<semaphore_mem>>)
      %mul3A_28 = arith.constant 16384 : i32
      %mul3A_29 = arith.muli %sub3A_3, %mul3A_28 : i32
      %dma_start3A_30 = arith.constant 1 : i32
      %dma_start3A_31 = tpu.memref_slice %arg11[%rem3A_18, %dma_start3A_30] : memref<4x4x!tpu.dma_semaphore, #tpu.memory_space<semaphore_mem>> -> memref<1x1x!tpu.dma_semaphore, #tpu.memory_space<semaphore_mem>>
      %dma_start3A_32 = tpu.memref_squeeze %dma_start3A_31 : memref<1x1x!tpu.dma_semaphore, #tpu.memory_space<semaphore_mem>> -> memref<!tpu.dma_semaphore, #tpu.memory_space<semaphore_mem>>
      %dma_start3A_33 = arith.constant 8 : i32
      %dma_start3A_34 = arith.constant 0 : i32
      %dma_start3A_35 = tpu.memref_slice %arg10[%rem3A_18, %dma_start3A_33, %dma_start3A_34] : memref<4x32x16384xf32, #tpu.memory_space<vmem>> -> memref<1x8x16384xf32, #tpu.memory_space<vmem>>
      %dma_start3A_36 = tpu.memref_squeeze %dma_start3A_35 : memref<1x8x16384xf32, #tpu.memory_space<vmem>> -> memref<8x16384xf32, #tpu.memory_space<vmem>>
      %dma_start3A_37 = arith.constant 8 : i32
      %dma_start3A_38 = tpu.memref_slice %arg1[%dma_start3A_37, %mul3A_29] : memref<32x500000xf32, #tpu.memory_space<any>> -> memref<8x16384xf32, #tpu.memory_space<any>>
      tpu.enqueue_dma source(%dma_start3A_38 : memref<8x16384xf32, #tpu.memory_space<any>>) target(%dma_start3A_36 : memref<8x16384xf32, #tpu.memory_space<vmem>>) target_semaphore(%dma_start3A_32 : memref<!tpu.dma_semaphore, #tpu.memory_space<semaphore_mem>>)
      %mul3A_39 = arith.constant 16384 : i32
      %mul3A_40 = arith.muli %sub3A_3, %mul3A_39 : i32
      %dma_start3A_41 = arith.constant 2 : i32
      %dma_start3A_42 = tpu.memref_slice %arg11[%rem3A_18, %dma_start3A_41] : memref<4x4x!tpu.dma_semaphore, #tpu.memory_space<semaphore_mem>> -> memref<1x1x!tpu.dma_semaphore, #tpu.memory_space<semaphore_mem>>
      %dma_start3A_43 = tpu.memref_squeeze %dma_start3A_42 : memref<1x1x!tpu.dma_semaphore, #tpu.memory_space<semaphore_mem>> -> memref<!tpu.dma_semaphore, #tpu.memory_space<semaphore_mem>>
      %dma_start3A_44 = arith.constant 16 : i32
      %dma_start3A_45 = arith.constant 0 : i32
      %dma_start3A_46 = tpu.memref_slice %arg10[%rem3A_18, %dma_start3A_44, %dma_start3A_45] : memref<4x32x16384xf32, #tpu.memory_space<vmem>> -> memref<1x8x16384xf32, #tpu.memory_space<vmem>>
      %dma_start3A_47 = tpu.memref_squeeze %dma_start3A_46 : memref<1x8x16384xf32, #tpu.memory_space<vmem>> -> memref<8x16384xf32, #tpu.memory_space<vmem>>
      %dma_start3A_48 = arith.constant 16 : i32
      %dma_start3A_49 = tpu.memref_slice %arg1[%dma_start3A_48, %mul3A_40] : memref<32x500000xf32, #tpu.memory_space<any>> -> memref<8x16384xf32, #tpu.memory_space<any>>
      tpu.enqueue_dma source(%dma_start3A_49 : memref<8x16384xf32, #tpu.memory_space<any>>) target(%dma_start3A_47 : memref<8x16384xf32, #tpu.memory_space<vmem>>) target_semaphore(%dma_start3A_43 : memref<!tpu.dma_semaphore, #tpu.memory_space<semaphore_mem>>)
      %mul3A_50 = arith.constant 16384 : i32
      %mul3A_51 = arith.muli %sub3A_3, %mul3A_50 : i32
      %dma_start3A_52 = arith.constant 3 : i32
      %dma_start3A_53 = tpu.memref_slice %arg11[%rem3A_18, %dma_start3A_52] : memref<4x4x!tpu.dma_semaphore, #tpu.memory_space<semaphore_mem>> -> memref<1x1x!tpu.dma_semaphore, #tpu.memory_space<semaphore_mem>>
      %dma_start3A_54 = tpu.memref_squeeze %dma_start3A_53 : memref<1x1x!tpu.dma_semaphore, #tpu.memory_space<semaphore_mem>> -> memref<!tpu.dma_semaphore, #tpu.memory_space<semaphore_mem>>
      %dma_start3A_55 = arith.constant 24 : i32
      %dma_start3A_56 = arith.constant 0 : i32
      %dma_start3A_57 = tpu.memref_slice %arg10[%rem3A_18, %dma_start3A_55, %dma_start3A_56] : memref<4x32x16384xf32, #tpu.memory_space<vmem>> -> memref<1x8x16384xf32, #tpu.memory_space<vmem>>
      %dma_start3A_58 = tpu.memref_squeeze %dma_start3A_57 : memref<1x8x16384xf32, #tpu.memory_space<vmem>> -> memref<8x16384xf32, #tpu.memory_space<vmem>>
      %dma_start3A_59 = arith.constant 24 : i32
      %dma_start3A_60 = tpu.memref_slice %arg1[%dma_start3A_59, %mul3A_51] : memref<32x500000xf32, #tpu.memory_space<any>> -> memref<8x16384xf32, #tpu.memory_space<any>>
      tpu.enqueue_dma source(%dma_start3A_60 : memref<8x16384xf32, #tpu.memory_space<any>>) target(%dma_start3A_58 : memref<8x16384xf32, #tpu.memory_space<vmem>>) target_semaphore(%dma_start3A_54 : memref<!tpu.dma_semaphore, #tpu.memory_space<semaphore_mem>>)
    } else {
    }
    %lt3A_8 = arith.constant 30 : i32
    %lt3A_9 = arith.cmpi slt, %arg0, %lt3A_8 : i32
    %convert_element_type3A_10 = arith.extui %lt3A_9 : i1 to i32
    %cond3A_11 = arith.constant 0 : i32
    %cond3A_12 = arith.cmpi ne, %convert_element_type3A_10, %cond3A_11 : i32
    scf.if %cond3A_12 {
      %rem3A = arith.constant 4 : i32
      %rem3A_18 = arith.remsi %arg0, %rem3A : i32
      %mul3A = arith.constant 16384 : i32
      %mul3A_19 = arith.muli %arg0, %mul3A : i32
      %dma_wait3A = arith.constant 0 : i32
      %dma_wait3A_20 = tpu.memref_slice %arg11[%rem3A_18, %dma_wait3A] : memref<4x4x!tpu.dma_semaphore, #tpu.memory_space<semaphore_mem>> -> memref<1x1x!tpu.dma_semaphore, #tpu.memory_space<semaphore_mem>>
      %dma_wait3A_21 = tpu.memref_squeeze %dma_wait3A_20 : memref<1x1x!tpu.dma_semaphore, #tpu.memory_space<semaphore_mem>> -> memref<!tpu.dma_semaphore, #tpu.memory_space<semaphore_mem>>
      %dma_wait3A_22 = arith.constant 0 : i32
      %dma_wait3A_23 = arith.constant 0 : i32
      %dma_wait3A_24 = tpu.memref_slice %arg10[%rem3A_18, %dma_wait3A_22, %dma_wait3A_23] : memref<4x32x16384xf32, #tpu.memory_space<vmem>> -> memref<1x8x16384xf32, #tpu.memory_space<vmem>>
      %dma_wait3A_25 = tpu.memref_squeeze %dma_wait3A_24 : memref<1x8x16384xf32, #tpu.memory_space<vmem>> -> memref<8x16384xf32, #tpu.memory_space<vmem>>
      %dma_wait3A_26 = arith.constant 0 : i32
      %dma_wait3A_27 = tpu.memref_slice %arg1[%dma_wait3A_26, %mul3A_19] : memref<32x500000xf32, #tpu.memory_space<any>> -> memref<8x16384xf32, #tpu.memory_space<any>>
      tpu.wait_dma2 semaphore(%dma_wait3A_21 : memref<!tpu.dma_semaphore, #tpu.memory_space<semaphore_mem>>) src(%dma_wait3A_27 : memref<8x16384xf32, #tpu.memory_space<any>>) dst(%dma_wait3A_25 : memref<8x16384xf32, #tpu.memory_space<vmem>>)
      %mul3A_28 = arith.constant 16384 : i32
      %mul3A_29 = arith.muli %arg0, %mul3A_28 : i32
      %dma_wait3A_30 = arith.constant 1 : i32
      %dma_wait3A_31 = tpu.memref_slice %arg11[%rem3A_18, %dma_wait3A_30] : memref<4x4x!tpu.dma_semaphore, #tpu.memory_space<semaphore_mem>> -> memref<1x1x!tpu.dma_semaphore, #tpu.memory_space<semaphore_mem>>
      %dma_wait3A_32 = tpu.memref_squeeze %dma_wait3A_31 : memref<1x1x!tpu.dma_semaphore, #tpu.memory_space<semaphore_mem>> -> memref<!tpu.dma_semaphore, #tpu.memory_space<semaphore_mem>>
      %dma_wait3A_33 = arith.constant 8 : i32
      %dma_wait3A_34 = arith.constant 0 : i32
      %dma_wait3A_35 = tpu.memref_slice %arg10[%rem3A_18, %dma_wait3A_33, %dma_wait3A_34] : memref<4x32x16384xf32, #tpu.memory_space<vmem>> -> memref<1x8x16384xf32, #tpu.memory_space<vmem>>
      %dma_wait3A_36 = tpu.memref_squeeze %dma_wait3A_35 : memref<1x8x16384xf32, #tpu.memory_space<vmem>> -> memref<8x16384xf32, #tpu.memory_space<vmem>>
      %dma_wait3A_37 = arith.constant 8 : i32
      %dma_wait3A_38 = tpu.memref_slice %arg1[%dma_wait3A_37, %mul3A_29] : memref<32x500000xf32, #tpu.memory_space<any>> -> memref<8x16384xf32, #tpu.memory_space<any>>
      tpu.wait_dma2 semaphore(%dma_wait3A_32 : memref<!tpu.dma_semaphore, #tpu.memory_space<semaphore_mem>>) src(%dma_wait3A_38 : memref<8x16384xf32, #tpu.memory_space<any>>) dst(%dma_wait3A_36 : memref<8x16384xf32, #tpu.memory_space<vmem>>)
      %mul3A_39 = arith.constant 16384 : i32
      %mul3A_40 = arith.muli %arg0, %mul3A_39 : i32
      %dma_wait3A_41 = arith.constant 2 : i32
      %dma_wait3A_42 = tpu.memref_slice %arg11[%rem3A_18, %dma_wait3A_41] : memref<4x4x!tpu.dma_semaphore, #tpu.memory_space<semaphore_mem>> -> memref<1x1x!tpu.dma_semaphore, #tpu.memory_space<semaphore_mem>>
      %dma_wait3A_43 = tpu.memref_squeeze %dma_wait3A_42 : memref<1x1x!tpu.dma_semaphore, #tpu.memory_space<semaphore_mem>> -> memref<!tpu.dma_semaphore, #tpu.memory_space<semaphore_mem>>
      %dma_wait3A_44 = arith.constant 16 : i32
      %dma_wait3A_45 = arith.constant 0 : i32
      %dma_wait3A_46 = tpu.memref_slice %arg10[%rem3A_18, %dma_wait3A_44, %dma_wait3A_45] : memref<4x32x16384xf32, #tpu.memory_space<vmem>> -> memref<1x8x16384xf32, #tpu.memory_space<vmem>>
      %dma_wait3A_47 = tpu.memref_squeeze %dma_wait3A_46 : memref<1x8x16384xf32, #tpu.memory_space<vmem>> -> memref<8x16384xf32, #tpu.memory_space<vmem>>
      %dma_wait3A_48 = arith.constant 16 : i32
      %dma_wait3A_49 = tpu.memref_slice %arg1[%dma_wait3A_48, %mul3A_40] : memref<32x500000xf32, #tpu.memory_space<any>> -> memref<8x16384xf32, #tpu.memory_space<any>>
      tpu.wait_dma2 semaphore(%dma_wait3A_43 : memref<!tpu.dma_semaphore, #tpu.memory_space<semaphore_mem>>) src(%dma_wait3A_49 : memref<8x16384xf32, #tpu.memory_space<any>>) dst(%dma_wait3A_47 : memref<8x16384xf32, #tpu.memory_space<vmem>>)
      %mul3A_50 = arith.constant 16384 : i32
      %mul3A_51 = arith.muli %arg0, %mul3A_50 : i32
      %dma_wait3A_52 = arith.constant 3 : i32
      %dma_wait3A_53 = tpu.memref_slice %arg11[%rem3A_18, %dma_wait3A_52] : memref<4x4x!tpu.dma_semaphore, #tpu.memory_space<semaphore_mem>> -> memref<1x1x!tpu.dma_semaphore, #tpu.memory_space<semaphore_mem>>
      %dma_wait3A_54 = tpu.memref_squeeze %dma_wait3A_53 : memref<1x1x!tpu.dma_semaphore, #tpu.memory_space<semaphore_mem>> -> memref<!tpu.dma_semaphore, #tpu.memory_space<semaphore_mem>>
      %dma_wait3A_55 = arith.constant 24 : i32
      %dma_wait3A_56 = arith.constant 0 : i32
      %dma_wait3A_57 = tpu.memref_slice %arg10[%rem3A_18, %dma_wait3A_55, %dma_wait3A_56] : memref<4x32x16384xf32, #tpu.memory_space<vmem>> -> memref<1x8x16384xf32, #tpu.memory_space<vmem>>
      %dma_wait3A_58 = tpu.memref_squeeze %dma_wait3A_57 : memref<1x8x16384xf32, #tpu.memory_space<vmem>> -> memref<8x16384xf32, #tpu.memory_space<vmem>>
      %dma_wait3A_59 = arith.constant 24 : i32
      %dma_wait3A_60 = tpu.memref_slice %arg1[%dma_wait3A_59, %mul3A_51] : memref<32x500000xf32, #tpu.memory_space<any>> -> memref<8x16384xf32, #tpu.memory_space<any>>
      tpu.wait_dma2 semaphore(%dma_wait3A_54 : memref<!tpu.dma_semaphore, #tpu.memory_space<semaphore_mem>>) src(%dma_wait3A_60 : memref<8x16384xf32, #tpu.memory_space<any>>) dst(%dma_wait3A_58 : memref<8x16384xf32, #tpu.memory_space<vmem>>)
      %get3A = arith.index_cast %rem3A_18 : i32 to index
      %get3A_61 = arith.constant 0 : index
      %get3A_62 = arith.constant 0 : index
      %get3A_63 = vector.load %arg10[%get3A, %get3A_61, %get3A_62] : memref<4x32x16384xf32, #tpu.memory_space<vmem>>, vector<1x32x16384xf32>
      %get3A_64 = vector.shape_cast %get3A_63 : vector<1x32x16384xf32> to vector<32x16384xf32>
      %get3A_65 = arith.constant 0 : index
      %get3A_66 = arith.constant 0 : index
      %get3A_67 = vector.load %arg3[%get3A_65, %get3A_66] : memref<24x32xf32, #tpu.memory_space<vmem>>, vector<24x32xf32>
      %dot_general3A = arith.constant dense<0.000000e+00> : vector<24x16384xf32>
      %dot_general3A_68 = tpu.matmul %get3A_67, %get3A_64, %dot_general3A {dimension_numbers = #tpu.dot_dimension_numbers<[1], [0], [0], [1], [0, 0, 1, 1], [], []>, transpose_lhs_hint = false} : vector<24x32xf32>, vector<32x16384xf32>, vector<24x16384xf32> -> vector<24x16384xf32>
      %slice3A = vector.extract_strided_slice %dot_general3A_68 {offsets = [0, 0], sizes = [16, 16384], strides = [1, 1]} : vector<24x16384xf32> to vector<16x16384xf32>
      %slice3A_69 = vector.extract_strided_slice %dot_general3A_68 {offsets = [16, 0], sizes = [1, 16384], strides = [1, 1]} : vector<24x16384xf32> to vector<1x16384xf32>
      %add3A_70 = arith.constant 9.99999997E-7 : f32
      %add3A_71 = vector.broadcast %add3A_70 : f32 to vector<1x16384xf32>
      %add3A_72 = arith.addf %slice3A_69, %add3A_71 : vector<1x16384xf32>
      %slice3A_73 = vector.extract_strided_slice %dot_general3A_68 {offsets = [17, 0], sizes = [1, 16384], strides = [1, 1]} : vector<24x16384xf32> to vector<1x16384xf32>
      %sub3A_74 = vector.broadcast %slice3A_73 : vector<1x16384xf32> to vector<16x16384xf32>
      %sub3A_75 = arith.subf %slice3A, %sub3A_74 : vector<16x16384xf32>
      %get3A_76 = arith.constant 0 : index
      %get3A_77 = arith.constant 0 : index
      %get3A_78 = vector.load %arg4[%get3A_76, %get3A_77] : memref<8x16xf32, #tpu.memory_space<vmem>>, vector<8x16xf32>
      %mul3A_79 = arith.mulf %sub3A_75, %sub3A_75 : vector<16x16384xf32>
      %dot_general3A_80 = arith.constant dense<0.000000e+00> : vector<8x16384xf32>
      %dot_general3A_81 = tpu.matmul %get3A_78, %mul3A_79, %dot_general3A_80 {dimension_numbers = #tpu.dot_dimension_numbers<[1], [0], [0], [1], [0, 0, 1, 1], [], []>, transpose_lhs_hint = false} : vector<8x16xf32>, vector<16x16384xf32>, vector<8x16384xf32> -> vector<8x16384xf32>
      %slice3A_82 = vector.extract_strided_slice %dot_general3A_81 {offsets = [0, 0], sizes = [1, 16384], strides = [1, 1]} : vector<8x16384xf32> to vector<1x16384xf32>
      %mul3A_83 = arith.constant 9.99999974E-6 : f32
      %mul3A_84 = vector.broadcast %mul3A_83 : f32 to vector<1x16384xf32>
      %mul3A_85 = arith.mulf %mul3A_84, %add3A_72 : vector<1x16384xf32>
      %mul3A_86 = arith.mulf %mul3A_85, %add3A_72 : vector<1x16384xf32>
      %add3A_87 = arith.addf %slice3A_82, %mul3A_86 : vector<1x16384xf32>
      %rsqrt3A = math.rsqrt %add3A_87 : vector<1x16384xf32>
      %mul3A_88 = vector.broadcast %rsqrt3A : vector<1x16384xf32> to vector<16x16384xf32>
      %mul3A_89 = arith.mulf %sub3A_75, %mul3A_88 : vector<16x16384xf32>
      %get3A_90 = arith.constant 0 : index
      %get3A_91 = arith.constant 0 : index
      %get3A_92 = vector.load %arg5[%get3A_90, %get3A_91] : memref<128x16xf32, #tpu.memory_space<vmem>>, vector<128x16xf32>
      %dot_general3A_93 = arith.constant dense<0.000000e+00> : vector<128x16384xf32>
      %dot_general3A_94 = tpu.matmul %get3A_92, %mul3A_89, %dot_general3A_93 {dimension_numbers = #tpu.dot_dimension_numbers<[1], [0], [0], [1], [0, 0, 1, 1], [], []>, transpose_lhs_hint = false} : vector<128x16xf32>, vector<16x16384xf32>, vector<128x16384xf32> -> vector<128x16384xf32>
      %get3A_95 = arith.constant 0 : index
      %get3A_96 = arith.constant 0 : index
      %get3A_97 = vector.load %arg6[%get3A_95, %get3A_96] : memref<128x1xf32, #tpu.memory_space<vmem>>, vector<128x1xf32>
      %add3A_98 = vector.broadcast %get3A_97 : vector<128x1xf32> to vector<128x16384xf32>
      %add3A_99 = arith.addf %dot_general3A_94, %add3A_98 : vector<128x16384xf32>
      %max3A = arith.constant 0.000000e+00 : f32
      %max3A_100 = vector.broadcast %max3A : f32 to vector<128x16384xf32>
      %max3A_101 = arith.maximumf %add3A_99, %max3A_100 : vector<128x16384xf32>
      %get3A_102 = arith.constant 0 : index
      %get3A_103 = arith.constant 0 : index
      %get3A_104 = vector.load %arg7[%get3A_102, %get3A_103] : memref<8x128xf32, #tpu.memory_space<vmem>>, vector<8x128xf32>
      %dot_general3A_105 = arith.constant dense<0.000000e+00> : vector<8x16384xf32>
      %dot_general3A_106 = tpu.matmul %get3A_104, %max3A_101, %dot_general3A_105 {dimension_numbers = #tpu.dot_dimension_numbers<[1], [0], [0], [1], [0, 0, 1, 1], [], []>, transpose_lhs_hint = false} : vector<8x128xf32>, vector<128x16384xf32>, vector<8x16384xf32> -> vector<8x16384xf32>
      %slice3A_107 = vector.extract_strided_slice %dot_general3A_106 {offsets = [0, 0], sizes = [1, 16384], strides = [1, 1]} : vector<8x16384xf32> to vector<1x16384xf32>
      %get3A_108 = arith.constant 0 : index
      %get3A_109 = arith.constant 0 : index
      %get3A_110 = vector.load %arg8[%get3A_108, %get3A_109] : memref<1x1xf32, #tpu.memory_space<vmem>>, vector<1x1xf32>
      %add3A_111 = vector.broadcast %get3A_110 : vector<1x1xf32> to vector<1x16384xf32>
      %add3A_112 = arith.addf %slice3A_107, %add3A_111 : vector<1x16384xf32>
      %reshape3A = vector.shape_cast %add3A_112 : vector<1x16384xf32> to vector<8x2048xf32>
      %swap3A = arith.constant 0 : index
      %swap3A_113 = arith.constant 0 : index
      %swap3A_114 = vector.load %arg9[%swap3A, %swap3A_113] : memref<8x2048xf32, #tpu.memory_space<vmem>>, vector<8x2048xf32>
      tpu.vector_store %arg9[%swap3A, %swap3A_113], %reshape3A {strides = array<i32>} : memref<8x2048xf32, #tpu.memory_space<vmem>>, vector<8x2048xf32>,
    } else {
    }
    %eq3A_13 = arith.constant 30 : i32
    %eq3A_14 = arith.cmpi eq, %arg0, %eq3A_13 : i32
    %convert_element_type3A_15 = arith.extui %eq3A_14 : i1 to i32
    %cond3A_16 = arith.constant 0 : i32
    %cond3A_17 = arith.cmpi ne, %convert_element_type3A_15, %cond3A_16 : i32
    scf.if %cond3A_17 {
      %get3A = arith.constant 0 : index
      %get3A_18 = arith.constant 0 : index
      %get3A_19 = vector.load %arg2[%get3A, %get3A_18] : memref<32x8480xf32, #tpu.memory_space<vmem>>, vector<32x8480xf32>
      %get3A_20 = arith.constant 0 : index
      %get3A_21 = arith.constant 0 : index
      %get3A_22 = vector.load %arg3[%get3A_20, %get3A_21] : memref<24x32xf32, #tpu.memory_space<vmem>>, vector<24x32xf32>
      %dot_general3A = arith.constant dense<0.000000e+00> : vector<24x8480xf32>
      %dot_general3A_23 = tpu.matmul %get3A_22, %get3A_19, %dot_general3A {dimension_numbers = #tpu.dot_dimension_numbers<[1], [0], [0], [1], [0, 0, 1, 1], [], []>, transpose_lhs_hint = false} : vector<24x32xf32>, vector<32x8480xf32>, vector<24x8480xf32> -> vector<24x8480xf32>
      %slice3A = vector.extract_strided_slice %dot_general3A_23 {offsets = [0, 0], sizes = [16, 8480], strides = [1, 1]} : vector<24x8480xf32> to vector<16x8480xf32>
      %slice3A_24 = vector.extract_strided_slice %dot_general3A_23 {offsets = [16, 0], sizes = [1, 8480], strides = [1, 1]} : vector<24x8480xf32> to vector<1x8480xf32>
      %add3A_25 = arith.constant 9.99999997E-7 : f32
      %add3A_26 = vector.broadcast %add3A_25 : f32 to vector<1x8480xf32>
      %add3A_27 = arith.addf %slice3A_24, %add3A_26 : vector<1x8480xf32>
      %slice3A_28 = vector.extract_strided_slice %dot_general3A_23 {offsets = [17, 0], sizes = [1, 8480], strides = [1, 1]} : vector<24x8480xf32> to vector<1x8480xf32>
      %sub3A_29 = vector.broadcast %slice3A_28 : vector<1x8480xf32> to vector<16x8480xf32>
      %sub3A_30 = arith.subf %slice3A, %sub3A_29 : vector<16x8480xf32>
      %get3A_31 = arith.constant 0 : index
      %get3A_32 = arith.constant 0 : index
      %get3A_33 = vector.load %arg4[%get3A_31, %get3A_32] : memref<8x16xf32, #tpu.memory_space<vmem>>, vector<8x16xf32>
      %mul3A = arith.mulf %sub3A_30, %sub3A_30 : vector<16x8480xf32>
      %dot_general3A_34 = arith.constant dense<0.000000e+00> : vector<8x8480xf32>
      %dot_general3A_35 = tpu.matmul %get3A_33, %mul3A, %dot_general3A_34 {dimension_numbers = #tpu.dot_dimension_numbers<[1], [0], [0], [1], [0, 0, 1, 1], [], []>, transpose_lhs_hint = false} : vector<8x16xf32>, vector<16x8480xf32>, vector<8x8480xf32> -> vector<8x8480xf32>
      %slice3A_36 = vector.extract_strided_slice %dot_general3A_35 {offsets = [0, 0], sizes = [1, 8480], strides = [1, 1]} : vector<8x8480xf32> to vector<1x8480xf32>
      %mul3A_37 = arith.constant 9.99999974E-6 : f32
      %mul3A_38 = vector.broadcast %mul3A_37 : f32 to vector<1x8480xf32>
      %mul3A_39 = arith.mulf %mul3A_38, %add3A_27 : vector<1x8480xf32>
      %mul3A_40 = arith.mulf %mul3A_39, %add3A_27 : vector<1x8480xf32>
      %add3A_41 = arith.addf %slice3A_36, %mul3A_40 : vector<1x8480xf32>
      %rsqrt3A = math.rsqrt %add3A_41 : vector<1x8480xf32>
      %mul3A_42 = vector.broadcast %rsqrt3A : vector<1x8480xf32> to vector<16x8480xf32>
      %mul3A_43 = arith.mulf %sub3A_30, %mul3A_42 : vector<16x8480xf32>
      %get3A_44 = arith.constant 0 : index
      %get3A_45 = arith.constant 0 : index
      %get3A_46 = vector.load %arg5[%get3A_44, %get3A_45] : memref<128x16xf32, #tpu.memory_space<vmem>>, vector<128x16xf32>
      %dot_general3A_47 = arith.constant dense<0.000000e+00> : vector<128x8480xf32>
      %dot_general3A_48 = tpu.matmul %get3A_46, %mul3A_43, %dot_general3A_47 {dimension_numbers = #tpu.dot_dimension_numbers<[1], [0], [0], [1], [0, 0, 1, 1], [], []>, transpose_lhs_hint = false} : vector<128x16xf32>, vector<16x8480xf32>, vector<128x8480xf32> -> vector<128x8480xf32>
      %get3A_49 = arith.constant 0 : index
      %get3A_50 = arith.constant 0 : index
      %get3A_51 = vector.load %arg6[%get3A_49, %get3A_50] : memref<128x1xf32, #tpu.memory_space<vmem>>, vector<128x1xf32>
      %add3A_52 = vector.broadcast %get3A_51 : vector<128x1xf32> to vector<128x8480xf32>
      %add3A_53 = arith.addf %dot_general3A_48, %add3A_52 : vector<128x8480xf32>
      %max3A = arith.constant 0.000000e+00 : f32
      %max3A_54 = vector.broadcast %max3A : f32 to vector<128x8480xf32>
      %max3A_55 = arith.maximumf %add3A_53, %max3A_54 : vector<128x8480xf32>
      %get3A_56 = arith.constant 0 : index
      %get3A_57 = arith.constant 0 : index
      %get3A_58 = vector.load %arg7[%get3A_56, %get3A_57] : memref<8x128xf32, #tpu.memory_space<vmem>>, vector<8x128xf32>
      %dot_general3A_59 = arith.constant dense<0.000000e+00> : vector<8x8480xf32>
      %dot_general3A_60 = tpu.matmul %get3A_58, %max3A_55, %dot_general3A_59 {dimension_numbers = #tpu.dot_dimension_numbers<[1], [0], [0], [1], [0, 0, 1, 1], [], []>, transpose_lhs_hint = false} : vector<8x128xf32>, vector<128x8480xf32>, vector<8x8480xf32> -> vector<8x8480xf32>
      %slice3A_61 = vector.extract_strided_slice %dot_general3A_60 {offsets = [0, 0], sizes = [1, 8480], strides = [1, 1]} : vector<8x8480xf32> to vector<1x8480xf32>
      %get3A_62 = arith.constant 0 : index
      %get3A_63 = arith.constant 0 : index
      %get3A_64 = vector.load %arg8[%get3A_62, %get3A_63] : memref<1x1xf32, #tpu.memory_space<vmem>>, vector<1x1xf32>
      %add3A_65 = vector.broadcast %get3A_64 : vector<1x1xf32> to vector<1x8480xf32>
      %add3A_66 = arith.addf %slice3A_61, %add3A_65 : vector<1x8480xf32>
      %broadcast_in_dim3A = arith.constant 0.000000e+00 : f32
      %broadcast_in_dim3A_67 = vector.broadcast %broadcast_in_dim3A : f32 to vector<1x7904xf32>
      %concatenate3A = tpu.concatenate %add3A_66, %broadcast_in_dim3A_67 in 1 : vector<1x8480xf32>, vector<1x7904xf32> -> vector<1x16384xf32>
      %reshape3A = vector.shape_cast %concatenate3A : vector<1x16384xf32> to vector<8x2048xf32>
      %swap3A = arith.constant 0 : index
      %swap3A_68 = arith.constant 0 : index
      %swap3A_69 = vector.load %arg9[%swap3A, %swap3A_68] : memref<8x2048xf32, #tpu.memory_space<vmem>>, vector<8x2048xf32>
      tpu.vector_store %arg9[%swap3A, %swap3A_68], %reshape3A {strides = array<i32>} : memref<8x2048xf32, #tpu.memory_space<vmem>>, vector<8x2048xf32>,
    } else {
    }
    return
  }
  func.func @transform_1(%arg0: i32) -> (i32, i32) {
    %c0_i32 = arith.constant 0 : i32
    %c0_i32_0 = arith.constant 0 : i32
    %c0_i32_1 = arith.constant 0 : i32
    return %c0_i32, %c0_i32_0 : i32, i32
  }
  func.func @transform_2(%arg0: i32) -> (i32, i32) {
    %c0_i32 = arith.constant 0 : i32
    %c0_i32_0 = arith.constant 0 : i32
    %c0_i32_1 = arith.constant 0 : i32
    return %c0_i32, %c0_i32_0 : i32, i32
  }
  func.func @transform_3(%arg0: i32) -> (i32, i32) {
    %c0_i32 = arith.constant 0 : i32
    %c0_i32_0 = arith.constant 0 : i32
    %c0_i32_1 = arith.constant 0 : i32
    return %c0_i32, %c0_i32_0 : i32, i32
  }
  func.func @transform_4(%arg0: i32) -> (i32, i32) {
    %c0_i32 = arith.constant 0 : i32
    %c0_i32_0 = arith.constant 0 : i32
    %c0_i32_1 = arith.constant 0 : i32
    return %c0_i32, %c0_i32_0 : i32, i32
  }
  func.func @transform_5(%arg0: i32) -> (i32, i32) {
    %c0_i32 = arith.constant 0 : i32
    %c0_i32_0 = arith.constant 0 : i32
    %c0_i32_1 = arith.constant 0 : i32
    return %c0_i32, %c0_i32_0 : i32, i32
  }
  func.func @transform_6(%arg0: i32) -> (i32, i32) {
    %c0_i32 = arith.constant 0 : i32
    %c0_i32_0 = arith.constant 0 : i32
    %c0_i32_1 = arith.constant 0 : i32
    return %c0_i32, %c0_i32_0 : i32, i32
  }
  func.func @transform_7(%arg0: i32) -> (i32, i32) {
    %c0_i32 = arith.constant 0 : i32
    %c0_i32_0 = arith.constant 0 : i32
    %c0_i32_1 = arith.constant 0 : i32
    return %c0_i32, %c0_i32_0 : i32, i32
  }
  func.func @transform_8(%arg0: i32) -> (i32, i32) {
    %c0_i32 = arith.constant 0 : i32
    %c0_i32_0 = arith.constant 0 : i32
    return %c0_i32, %arg0 : i32, i32
  }
}

</mosaic_0001>

<sc_bundles>
// kernel: kernel.4.cloned.1.call-start
scs
__scs_entry_jumppad:
0x0: {  	(pc) =	sbr.rel $0x88, $3  }
0x1: {  	(tag) =	ssettag $0x0;
	lr =	simm.s32 $0x1  }
0x2: {  	[smem:$0x3F96] =	sst lr;
	_ =	strace $0xD0000000  }
0x3: {  	_ = 	snop  }
0x4: {  	_ = 	snop  }
0x5: {  	_ = 	snop  }
0x6: {  	_ = 	snop  }
0x7: {  	_ = 	snop  }
__scs_overlays_trampoline_lowered:
0x8: {  	[smem:$0x3FA5] =	sst s0  }
0x9: {  	[smem:$0x3FA6] =	sst s1  }
0xa: {  	[smem:$0x3FA7] =	sst s2  }
0xb: {  	[smem:$0x3FA8] =	sst s3  }
0xc: {  	[smem:$0x3FA9] =	sst s4  }
0xd: {  	[smem:$0x3FAA] =	sst s5  }
0xe: {  	[smem:$0x3FAB] =	sst s6  }
0xf: {  	[smem:$0x3FAC] =	sst s7  }
0x10: {  	[smem:$0x3FAD] =	sst s8  }
0x11: {  	[smem:$0x3FAE] =	sst s9;
	s0 =	simm.s32 @!p0 $0x0  }
0x12: {  	s1 =	sld [smem:$0x3F94];
	s0 =	simm.s32 @p0 $0x1  }
0x13: {  	[smem:$0x3FAF] =	sst s0;
	s0 =	simm.s32 @!p1 $0x0  }
0x14: {  	s2 =	sld [smem:$0x3F93];
	s0 =	simm.s32 @p1 $0x1  }
0x15: {  	[smem:$0x3FB0] =	sst s0;
	s0 =	simm.s32 @!p2 $0x0  }
0x16: {  	s3 =	sld [smem:$0x3FDB];
	s0 =	simm.s32 @p2 $0x1  }
0x17: {  	s4 =	simm.s32 $0x1BF5;
	[smem:$0x3FB2] =	sst s0  }
0x18: {  	s0 =	sld [smem:$0x3F95];
	_ =	swait.ge [sflag:s4], $0x0  }
0x19: {  	s7 =	sld [smem:$0x3F96]  }
0x1a: {  	s8 =	sadd.s32 $0xFFFFE003, lr  }
0x1b: {  	s9 =	sadd.s32 $0xFFFFFEF7, lr;
	s5 =	simm.s32 $0xFFFFFFFF;
	p2 =	slt.u32 s8, $0xFFFFF086  }
0x1c: {  	p1 =	slt.u32 s9, $0xF7A;
	s5 =	simm.s32 @!p2 $0x0  }
0x1d: {  	s5 =	simm.s32 @p1 $0x1;
	p0 =	seq.s32 s7, s2  }
0x1e: {  	s7 =	smul.u32 @!p0 $0xF7A, s2;
	p2 =	seq.s32 @!p0 s5, $0x0  }
0x1f: {  	s9 =	smul.u32 $0xF7A, s1;
	s8 =	simm.s32 @!p0 $0x1BF5;
	p2 =	por !p2, p0  }
0x20: {  	[sflag:s8] =	ssyncset.s32 @!p0 $0xFFFFF086;
	s6 =	sadd.s32 @!p0 s3, s7;
	s7 =	simm.s32 @!p0 $0x108  }
0x21: {  	s3 =	sadd.s32 s3, s9;
	s6 =	sadd.s32 @!p0 $0x88, s6;
	s7 =	simm.s32 @p2 $0x1082  }
0x22: {  	[simem:s7], [sflag:s8] =	dma.local @!p0 [hbm:s6], $0xF7A  }
0x23: {  	s9 =	sor.u32 $0xD0000000, s2;
	s6 =	simm.s32 $0x108;
	_ =	swait.ge @!p0 [sflag:s8], $0x0  }
0x24: {  	s3 =	sadd.s32 $0x88, s3;
	s6 =	simm.s32 @!p1 $0x1082;
	[sflag:s4] =	ssyncset.s32 $0xFFFFF086  }
0x25: {  	[simem:s6], [sflag:s4] =	dma.local [hbm:s3], $0xF7A  }
0x26: {  	[smem:$0x3F96] =	sst s1;
	(tag) =	ssettag s2;
	_ =	strace s9  }
0x27: {  	s1 =	sld [smem:$0x3FA6]  }
0x28: {  	s2 =	sld [smem:$0x3FA7]  }
0x29: {  	s4 =	sld [smem:$0x3FA9]  }
0x2a: {  	p0 =	seq.s32 s5, $0x0;
	s5 =	sld [smem:$0x3FAA]  }
0x2b: {  	s6 =	sld [smem:$0x3FAB]  }
0x2c: {  	s7 =	sld [smem:$0x3FAC]  }
0x2d: {  	s3 =	simm.s32 $0x108;
	s8 =	sld [smem:$0x3FAD]  }
0x2e: {  	s3 =	simm.s32 @!p0 $0x1082;
	s9 =	sld [smem:$0x3FAE]  }
0x2f: {  	lr =	sadd.s32 s0, s3;
	s0 =	sld [smem:$0x3FA5]  }
0x30: {  	s3 =	sld [smem:$0x3FA8]  }
0x31: {  	[smem:$0x3FB1] =	sst s10  }
0x32: {  	s10 =	sld [smem:$0x3FAF];
	_ =	sdelay $0x3  }
0x33: {  	p0 =	seq.s32 s10, $0x1;
	s10 =	sld [smem:$0x3FB1];
	_ =	sdelay $0x3  }
0x34: {  	[smem:$0x3FB1] =	sst s10  }
0x35: {  	s10 =	sld [smem:$0x3FB0];
	_ =	sdelay $0x3  }
0x36: {  	p1 =	seq.s32 s10, $0x1;
	s10 =	sld [smem:$0x3FB1];
	_ =	sdelay $0x3  }
0x37: {  	[smem:$0x3FB1] =	sst s10  }
0x38: {  	s10 =	sld [smem:$0x3FB2]  }
0x39: {  	_ = 	snop;
	(pc) =	sbr.ind lr, $3  }
0x3a: {  	_ = 	snop  }
0x3b: {  	_ = 	snop  }
0x3c: {  	p2 =	seq.s32 s10, $0x1;
	s10 =	sld [smem:$0x3FB1]  }
0x3d: {  	_ =	shalt  }
0x3e: {  	_ =	shalt  }
0x3f: {  	_ =	shalt  }
0x40: {  	_ =	shalt  }
0x41: {  	_ =	shalt  }
0x42: {  	_ =	shalt  }
0x43: {  	_ =	shalt  }
0x44: {  	_ =	shalt  }
0x45: {  	_ =	shalt  }
0x46: {  	_ =	shalt  }
0x47: {  	_ =	shalt  }
0x48: {  	_ =	shalt  }
0x49: {  	_ =	shalt  }
0x4a: {  	_ =	shalt  }
0x4b: {  	_ =	shalt  }
0x4c: {  	_ =	shalt  }
0x4d: {  	_ =	shalt  }
0x4e: {  	_ =	shalt  }
0x4f: {  	_ =	shalt  }
0x50: {  	_ =	shalt  }
0x51: {  	_ =	shalt  }
0x52: {  	_ =	shalt  }
0x53: {  	_ =	shalt  }
0x54: {  	_ =	shalt  }
0x55: {  	_ =	shalt  }
0x56: {  	_ =	shalt  }
0x57: {  	_ =	shalt  }
0x58: {  	_ =	shalt  }
0x59: {  	_ =	shalt  }
0x5a: {  	_ =	shalt  }
0x5b: {  	_ =	shalt  }
0x5c: {  	_ =	shalt  }
0x5d: {  	_ =	shalt  }
0x5e: {  	_ =	shalt  }
0x5f: {  	_ =	shalt  }
0x60: {  	_ =	shalt  }
0x61: {  	_ =	shalt  }
0x62: {  	_ =	shalt  }
0x63: {  	_ =	shalt  }
0x64: {  	_ =	shalt  }
0x65: {  	_ =	shalt  }
0x66: {  	_ =	shalt  }
0x67: {  	_ =	shalt  }
0x68: {  	_ =	shalt  }
0x69: {  	_ =	shalt  }
0x6a: {  	_ =	shalt  }
0x6b: {  	_ =	shalt  }
0x6c: {  	_ =	shalt  }
0x6d: {  	_ =	shalt  }
0x6e: {  	_ =	shalt  }
0x6f: {  	_ =	shalt  }
0x70: {  	_ =	shalt  }
0x71: {  	_ =	shalt  }
0x72: {  	_ =	shalt  }
0x73: {  	_ =	shalt  }
0x74: {  	_ =	shalt  }
0x75: {  	_ =	shalt  }
0x76: {  	_ =	shalt  }
0x77: {  	_ =	shalt  }
0x78: {  	_ =	shalt  }
0x79: {  	_ =	shalt  }
0x7a: {  	_ =	shalt  }
0x7b: {  	_ =	shalt  }
0x7c: {  	_ =	shalt  }
0x7d: {  	_ =	shalt  }
0x7e: {  	_ =	shalt  }
0x7f: {  	_ =	shalt  }
0x80: {  	_ =	shalt  }
0x81: {  	_ =	shalt  }
0x82: {  	_ =	shalt  }
0x83: {  	_ =	shalt  }
0x84: {  	_ =	shalt  }
0x85: {  	_ =	shalt  }
0x86: {  	_ =	shalt  }
0x87: {  	_ =	shalt  }
.Lfunc_end0:
.L_simem_size_0:
called_computation_lowered:
.L_overlay_start_0:
0x88: {  	s2 =	sld [smem:$0x3FD9]  }
0x89: {  	s3 =	sld [smem:$0x3FFE];
	_ =	sdelay $0x1  }
0x8a: {  	s1 =	srdreg.scid  }
0x8b: {  	s0 =	sand.u32 $0x1, s1  }
0x8c: {  	s14 =	sshll.u32 s0, $0xA;
	s2 =	sadd.s32 s3, s2  }
0x8d: {  	s2 =	sadd.s32 s2, s14  }
0x8e: {  	[smem:$0x3FBD] =	sst s2  }
0x8f: {  	_ = 	snop  }
0x90: {  	s2 =	sld [smem:$0x3FD0];
	_ =	sdelay $0x2  }
0x91: {  	s4 =	simm.s32 $0xA;
	s5 =	simm.s32 $0x10;
	s15 =	sld [smem:$0x3FBF]  }
0x92: {  	[smem:s5], [sflag:s4] =	dma.local [hbm:s2], $0x1  }
0x93: {  	_ =	swait.eq [sflag:s4], $0x1  }
0x94: {  	[sflag:s4] =	ssyncset.done $0x0  }
0x95: {  	s16 =	sld [smem:$0x10];
	[sflag:s4] =	ssyncadd.s32 $0xFFFFFFFF  }
0x96: {  	s17 =	sld [smem:$0x11];
	(tm) =	ssettm $0x1  }
0x97: {  	s18 =	sld [smem:$0x3FFB];
	_ =	sdelay $0x3  }
0x98: {  	_ =	strace s18  }
0x99: {  	s5 =	sld [smem:$0x3FFC];
	_ =	sdelay $0x3  }
0x9a: {  	_ =	strace s5  }
0x9b: {  	s5 =	sld [smem:$0x3FFD];
	_ =	sdelay $0x3  }
0x9c: {  	_ =	strace s5  }
0x9d: {  	_ =	strace $0x8FFFFFFF  }
0x9e: {  	s19 =	sld [smem:$0x3FDB];
	_ =	sdelay $0x1  }
0x9f: {  	s6 =	simm.s32 $_scs_section_size  }
0xa0: {  	s7 =	simm.s32 $_size__tile_overlayer_lowered;
	s8 =	simm.s32 $_tile_overlayer_lowered  }
0xa1: {  	s22 =	simm.s32 $0x1BFF;
	s21 =	sshll.u32 s8, $0x1;
	s5 =	sadd.s32 s6, s19  }
0xa2: {  	s9 =	simm.s32 $0x0;
	s20 =	sshll.u32 s7, $0x1;
	s7 =	sadd.s32 s21, s5  }
0xa3: {  	[timem:s9], [sflag:s22] =	dma.local [hbm:s7], s20  }
0xa4: {  	_ =	swait.ge [sflag:s22], s20  }
0xa5: {  	s6 =	ssub.s32 $0x0, s20;
	[sflag:s22] =	ssyncset.done $0x0  }
0xa6: {  	[sflag:s22] =	ssyncadd.s32 s6;
	_ =	sdelay $0x1  }
0xa7: {  	s23 =	simm.s32 $0x1B8B  }
0xa8: {  	_ =	swait.ge [sflag:s23], $0x1  }
0xa9: {  	[sflag:s23] =	ssyncset.done $0x0  }
0xaa: {  	s25 =	simm.s32 $0x1B8E;
	s24 =	sld [smem:$0x3FFE];
	[sflag:s23] =	ssyncadd.s32 $0xFFFFFFFF  }
0xab: {  	s26 =	simm.s32 $execute0_lowered;
	[smem:$0x3FD2] =	sst s25  }
0xac: {  	s7 =	sshll.u32 s26, $0x1;
	_ =	strace $0x80000046;
	[dreg:$0x1] =	wrdreg $0xFFFFFFFF  }
0xad: {  	s28 =	simm.s32 $_size_execute0_lowered;
	s5 =	sadd.s32 s5, s7;
	[dreg:$0x0] =	wrdreg $0x0  }
0xae: {  	s7 =	sshll.u32 s28, $0x1;
	[dreg:$0x2] =	wrdreg s5  }
0xaf: {  	[dreg:$0x3] =	wrdreg s7  }
0xb0: {  	[dreg:$0x4] =	wrdreg $0xC0  }
0xb1: {  	_ =	task [dreg:s9], $0x5FFFF  }
0xb2: {  	[dreg:$0x1] =	wrdreg $0xFFFFFFFF  }
0xb3: {  	[dreg:$0x0] =	wrdreg $0x60  }
0xb4: {  	[dreg:$0x2] =	wrdreg s17  }
0xb5: {  	[dreg:$0x3] =	wrdreg s16  }
0xb6: {  	[dreg:$0x4] =	wrdreg s15  }
0xb7: {  	[dreg:$0x5] =	wrdreg s24  }
0xb8: {  	[dreg:$0x6] =	wrdreg $0x9  }
0xb9: {  	_ =	task.clear_ibuf [dreg:s9], $0x7FFFF;
	_ =	strace $0x90000046  }
0xba: {  	s29 =	simm.s32 $0x9;
	_ =	strace $0x80000048  }
0xbb: {  	_ =	swait.ge [sflag:s29], $0x1  }
0xbc: {  	[sflag:s29] =	ssyncadd.s32 $0xFFFFFFFF  }
0xbd: {  	_ =	strace $0x90000048  }
0xbe: {  	_ =	sfence  }
0xbf: {  	s30 =	sld [smem:$0x0];
	_ =	sdelay $0x2  }
0xc0: {  	s31 =	sshll.u32 s1, $0xD;
	s1 =	sshrl.u32 s1, $0x2  }
0xc1: {  	s3 =	sand.u32 $0x4000, s31;
	s1 =	sadd.s32 s1, s30  }
0xc2: {  	s0 =	sor.u32 s3, s0;
	s1 =	sshll.u32 s1, $0x11  }
0xc3: {  	s0 =	sor.u32 s1, s0  }
0xc4: {  	s0 =	sadd.s32 $0x8F2B, s0  }
0xc5: {  	[sflag:s0] =	ssyncadd.remote.s32 $0x1  }
0xc6: {  	_ =	sfence.sel $0xFFFF  }
0xc7: {  	[dreg:$0x0] =	wrdreg $0xFFFFFFFF;
	(pc) =	sbr.abs _section_cstart, $3  }
0xc8: {  	[dreg:$0x1] =	wrdreg $0xFFFFFFFF  }
0xc9: {  	_ =	task.clear_ibuf [dreg:s9], $0x2FFFF;
	_ =	strace $0x9FFFFFFF  }
0xca: {  	(tm) =	ssettm $0x7FFFFFFF  }
0xcb: {  	_ =	shalt  }
tec
execute0_lowered:
.L_overlay_start_1:
0x0: {  	(tag) =	ssettag $0x1  }
0x1: {  	s1 =	rddreg [dreg:$0x0]  }
0x2: {  	s2 =	rddreg [dreg:$0x1]  }
0x3: {  	s3 =	rddreg [dreg:$0x2]  }
0x4: {  	s7 =	rddreg [dreg:$0x3];
	s4 =	simm.s32 $0x0  }
0x5: {  	[smem:$0x7FF] =	sst s4  }
0x6: {  	s0 =	rddreg [dreg:$0x4];
	v0 =	vimm.s32 $0x0;
	_ =	strace $0x80000047  }
0x7: {  	(xrf0) =	vadd.scan.msk.s32 $0xffff, v0;
	_ =	sdelay $0x5  }
0x8: {  	v0, _, _ =	vpop (xrf0)  }
0x9: {  	(v2sf) =	vpush v0, $0xF;
	_ =	sdelay $0x1  }
0xa: {  	s6 =	srdreg.scid;
	s5 =	stileid.u32  }
0xb: {  	s6 =	sand.u32 $0x1, s6;
	s8 =	sshll.u32 s5, $0x1  }
0xc: {  	s8 =	sor.u32 s6, s8  }
0xd: {  	s15 =	simm.s32 $0x19780;
	s9 =	sshll.u32 s8, $0x1  }
0xe: {  	v17 =	vlaneseq.u32;
	s10 =	smul.u32 $0x30D40, s8;
	s8 =	sshllo.u32 s8, $0x1;
	s11 =	sadd.s32 $0xFFFFFFF0, s9  }
0xf: {  	v4 =	vmov s9;
	s12 =	sadd.s32 $0xFFFFFFE0, s9;
	s13 =	sadd.s32 $0xFFFFFFD0, s9;
	s18 =	sadd.s32 $0xFFFFFFF1, s9;
	v8 =	vmov s8;
	v5 =	vmov s11  }
0x10: {  	s19 =	sadd.s32 $0xFFFFFFE1, s9;
	s20 =	sadd.s32 $0xFFFFFFD1, s9;
	s22 =	sadd.s32 $0x2, s9;
	v6 =	vmov s12;
	v7 =	vmov s13;
	v9 =	vmov s18  }
0x11: {  	s23 =	sadd.s32 $0xFFFFFFF2, s9;
	s24 =	sadd.s32 $0xFFFFFFE2, s9;
	s25 =	sadd.s32 $0xFFFFFFD2, s9;
	v10 =	vmov s19;
	v11 =	vmov s20;
	v12 =	vmov s22  }
0x12: {  	s16 =	simm.s32 $0x0;
	s8 =	smul.u32 $0x186A0, s8;
	s9 =	sadd.s32 $0xFFFFFFC2, s9;
	v13 =	vmov s23;
	v14 =	vmov s24;
	v15 =	vmov s25  }
0x13: {  	s29 =	sadd.s32 $0x1400, s7;
	s14 =	ssub.s32 $0x2, s6;
	s21 =	sadd.s32 $0x186A0, s10;
	v16 =	vmov s9;
	vm3 =	veq.s32 v8, v17;
	vm7 =	veq.s32 v4, v17  }
.Ltmp0:
0x14: {  	s6 =	sadd.s32 $0x1200, s7;
	s26 =	sshrl.u32 s14, $0x1;
	v1 =	vmov s21;
	v2 =	vmov s8;
	vm0 =	veq.s32 v11, v17;
	(pc) =	sbr.rel .LBB2_1-.Ltmp0, $4  }
0x15: {  	s11 =	ssub.s32 s14, s26;
	s30 =	sshrl.u32 s10, $0x3;
	s12 =	simm.s32 $0x1A780;
	vm1 =	veq.s32 v10, v17;
	vm2 =	veq.s32 v9, v17;
	vm4 =	veq.s32 v7, v17  }
0x16: {  	s13 =	simm.s32 $0x1;
	s14 =	simm.s32 $0x18700;
	s28 =	sadd.s32 $0x186A0, s8;
	vm5 =	veq.s32 v6, v17;
	vm6 =	veq.s32 v5, v17;
	vm8 =	veq.s32 v16, v17  }
0x17: {  	s31 =	sshrl.u32 s8, $0x3;
	s9 =	sadd.s32 s29, s30;
	vm9 =	veq.s32 v15, v17;
	vm10 =	veq.s32 v14, v17;
	vm11 =	veq.s32 v13, v17;
	s7 =	spop (v2sf)  }
0x18: {  	s11 =	smax.u32 s11, $0x1;
	vm12 =	veq.s32 v12, v17;
	v3 =	vmov s28;
	v0 =	vmov s10;
	s10 =	sadd.s32 s29, s31;
	s8 =	sadd.s32 $0xFFF, s7  }
.LBB2_9:
0x19: {  	s16 =	sadd.s32 $0x1, s16  }
0x1a: {  	p0 =	sne.s32 s16, s11  }
.Ltmp1:
0x1b: {  	_ = 	snop;
	(pc) =	sbr.rel @!p0 .LBB2_10-.Ltmp1, $4  }
0x1c: {  	[hbm4b:s10+s4] =	stream.linear.scatter [tilespmem:s4], [sflag:$0x1], $0x186A0, $0x38;
	[tilespmem:$0x1A800] =	vst v63  }
0x1d: {  	_ =	swait.ge [sflag:s13], $0x186A0  }
0x1e: {  	[sflag:s13] =	ssyncset.done $0x0  }
0x1f: {  	[sflag:s13] =	ssyncadd.s32 $0xFFFE7960  }
.LBB2_1:
0x20: {  	[tilespmem:s12], [sflag:$0x1] =	stream.linear.gather [hbm4b:s6+s4], $0x80, $0x38;
	[tilespmem:$0x1A800] =	vst v63  }
0x21: {  	_ =	swait.ge [sflag:s13], $0x80  }
0x22: {  	[sflag:s13] =	ssyncset.done $0x0  }
0x23: {  	[sflag:s13] =	ssyncadd.s32 $0xFFFFFF80  }
0x24: {  	v4 =	vld [tilespmem:$0x1A780];
	_ =	sdelay $0x1  }
0x25: {  	v5 =	vld [tilespmem:$0x1A790]  }
0x26: {  	v6 =	vld [tilespmem:$0x1A7A0]  }
0x27: {  	v7 =	vld [tilespmem:$0x1A7B0]  }
0x28: {  	v8 =	vnsel vm7, $0x0, v4  }
0x29: {  	(xrf0) =	vadd.scan.msk.s32 $0xffff, v8  }
0x2a: {  	v61 =	vnsel vm6, $0x0, v5  }
0x2b: {  	v62 =	vnsel vm5, $0x0, v6;
	(xrf0) =	vadd.scan.msk.s32 $0xffff, v61  }
0x2c: {  	v63 =	vnsel vm4, $0x0, v7;
	(xrf0) =	vadd.scan.msk.s32 $0xffff, v62  }
0x2d: {  	v4 =	vnsel vm3, $0x0, v4;
	(xrf0) =	vadd.scan.msk.s32 $0xffff, v63  }
0x2e: {  	(xrf0) =	vadd.scan.msk.s32 $0xffff, v4;
	v4 =	vnsel vm2, $0x0, v5  }
0x2f: {  	v5, _, _ =	vpop (xrf0)  }
0x30: {  	(xrf0) =	vadd.scan.msk.s32 $0xffff, v4;
	(v2sf) =	vpush v5, $0xF;
	v5 =	vnsel vm1, $0x0, v6  }
0x31: {  	v4, _, _ =	vpop (xrf0)  }
0x32: {  	(v2sf) =	vpush v4, $0xF;
	v4, _, _ =	vpop (xrf0)  }
0x33: {  	(xrf0) =	vadd.scan.msk.s32 $0xffff, v5;
	(v2sf) =	vpush v4, $0xF;
	v5, _, _ =	vpop (xrf0)  }
0x34: {  	(v2sf) =	vpush v5, $0xF;
	v5 =	vnsel vm0, $0x0, v7  }
0x35: {  	v4, _, _ =	vpop (xrf0);
	(xrf0) =	vadd.scan.msk.s32 $0xffff, v5  }
0x36: {  	(v2sf) =	vpush v4, $0xF;
	v4, _, _ =	vpop (xrf0)  }
0x37: {  	(v2sf) =	vpush v4, $0xF;
	_ =	sdelay $0x2  }
0x38: {  	v4, _, _ =	vpop (xrf0)  }
0x39: {  	(v2sf) =	vpush v4, $0xF;
	v4, _, _ =	vpop (xrf0)  }
0x3a: {  	(v2sf) =	vpush v4, $0xF;
	_ =	sdelay $0x4  }
0x3b: {  	s17 =	spop (v2sf)  }
0x3c: {  	s18 =	spop (v2sf);
	s17 =	sadd.s32 s7, s17  }
0x3d: {  	s19 =	spop (v2sf);
	s17 =	sadd.s32 s18, s17  }
0x3e: {  	s17 =	sadd.s32 s19, s17;
	s23 =	spop (v2sf)  }
0x3f: {  	s24 =	spop (v2sf);
	s17 =	sadd.s32 s23, s17  }
0x40: {  	s25 =	spop (v2sf);
	s20 =	sshra.s32 s17, $0x1F;
	s21 =	sand.u32 $0x7, s17  }
0x41: {  	p0 =	slt.s32 s17, $0x1;
	s19 =	sadd.s32 s24, s8;
	p1 =	sne.s32 s21, $0x0  }
0x42: {  	s20 =	sshrl.u32 s20, $0x1D;
	s18 =	sadd.s32 s25, s19;
	p0 =	por !p0, !p1  }
0x43: {  	s17 =	sadd.s32 s20, s17;
	s20 =	simm.s32 $0x1;
	p0 =	por !p0, !p0  }
0x44: {  	s26 =	spop (v2sf);
	s17 =	sshrl.u32 s17, $0x3;
	s20 =	simm.s32 @!p0 $0x0  }
0x45: {  	s18 =	sadd.s32 s26, s18;
	s17 =	ssub.s32 s17, s20;
	s28 =	spop (v2sf)  }
0x46: {  	s17 =	sshll.u32 s17, $0x3;
	s18 =	sadd.s32 s28, s18  }
0x47: {  	s18 =	ssub.s32 s18, s17  }
0x48: {  	s29 =	sand.u32 $0xFFF, s18  }
0x49: {  	s30 =	sshra.s32 s18, $0x1F;
	p5 =	slt.s32 s18, $0x1;
	p6 =	sne.s32 s29, $0x0  }
0x4a: {  	s31 =	sshrl.u32 s30, $0x14;
	p0 =	por !p5, !p6  }
0x4b: {  	s19 =	simm.s32 $0x1;
	s18 =	sadd.s32 s31, s18;
	p0 =	por !p0, !p0  }
0x4c: {  	s18 =	sshra.s32 s18, $0xC;
	s19 =	simm.s32 @!p0 $0x0  }
0x4d: {  	s18 =	ssub.s32 s18, s19  }
0x4e: {  	p0 =	slt.s32 s18, $0x1  }
.Ltmp2:
0x4f: {  	_ = 	snop;
	(pc) =	sbr.rel @p0 .LBB2_5-.Ltmp2, $4  }
0x50: {  	[tilespmem:s4], [sflag:$0x1] =	stream.linear.gather [hbm4b:s3+s4], $0x18700, $0x38;
	[tilespmem:$0x1A800] =	vst v63  }
0x51: {  	_ =	swait.ge [sflag:s13], $0x18700  }
0x52: {  	[sflag:s13] =	ssyncset.done $0x0  }
0x53: {  	[sflag:s13] =	ssyncadd.s32 $0xFFFE7900;
	s19 =	simm.s32 $0x0  }
.LBB2_2:
0x54: {  	s20 =	sshll.u32 s19, $0xC  }
0x55: {  	s20 =	sadd.s32 s17, s20  }
0x56: {  	s20 =	sshrl.u32 s20, $0x3  }
0x57: {  	s21 =	sadd.s32 s1, s20  }
0x58: {  	[tilespmem:s14], [sflag:$0x1] =	stream.linear.gather [hbm4b:s21+s4], $0x1010, $0x38;
	[tilespmem:$0x1A800] =	vst v63  }
0x59: {  	_ =	swait.ge [sflag:s13], $0x1010  }
0x5a: {  	[sflag:s13] =	ssyncset.done $0x0  }
0x5b: {  	s20 =	sadd.s32 s2, s20;
	[sflag:s13] =	ssyncadd.s32 $0xFFFFEFF0  }
0x5c: {  	[tilespmem:s15], [sflag:$0x1] =	stream.linear.gather [hbm4b:s20+s4], $0x1000, $0x38;
	[tilespmem:$0x1A800] =	vst v63  }
0x5d: {  	_ =	swait.ge [sflag:s13], $0x1000  }
0x5e: {  	s22 =	simm.s32 $0x197C0;
	[sflag:s13] =	ssyncset.done $0x0  }
0x5f: {  	s21 =	simm.s32 $0x18740;
	s20 =	simm.s32 $0xFFFFFFF8;
	[sflag:s13] =	ssyncadd.s32 $0xFFFFF000  }
.LBB2_3:
0x60: {  	v4 =	vld [tilespmem:s21+$0xFFFFFFC0]  }
0x61: {  	v5 =	vld [tilespmem:s21+$0xFFFFFFC1];
	_ =	sdelay $0x3  }
0x62: {  	vm13 =	vge.s32 v4, v0;
	vm14 =	vlt.s32 v4, v1  }
0x63: {  	vm13 =	vmand vm13, vm14;
	vm14 =	vne.s32 v4, v5  }
0x64: {  	v4 =	vsub.s32 v4, v0;
	vm13 =	vmand vm13, vm14  }
0x65: {  	v5 =	vld [tilespmem:s22+$0xFFFFFFC0];
	v4 =	vnsel vm13, $0x0, v4;
	_ =	sdelay $0x4  }
0x66: {  	[tilespmem:v4+s4+$0x0] =	vst.idx.add.f32.msk vm13, v5  }
0x67: {  	v4 =	vld [tilespmem:s21+$0xFFFFFFD0]  }
0x68: {  	v5 =	vld [tilespmem:s21+$0xFFFFFFD1];
	_ =	sdelay $0x3  }
0x69: {  	vm13 =	vge.s32 v4, v0;
	vm14 =	vlt.s32 v4, v1  }
0x6a: {  	vm13 =	vmand vm13, vm14;
	vm14 =	vne.s32 v4, v5  }
0x6b: {  	v4 =	vsub.s32 v4, v0;
	vm13 =	vmand vm13, vm14  }
0x6c: {  	v5 =	vld [tilespmem:s22+$0xFFFFFFD0];
	v4 =	vnsel vm13, $0x0, v4;
	_ =	sdelay $0x4  }
0x6d: {  	[tilespmem:v4+s4+$0x0] =	vst.idx.add.f32.msk vm13, v5  }
0x6e: {  	v4 =	vld [tilespmem:s21+$0xFFFFFFE0]  }
0x6f: {  	v5 =	vld [tilespmem:s21+$0xFFFFFFE1];
	_ =	sdelay $0x3  }
0x70: {  	vm13 =	vge.s32 v4, v0;
	vm14 =	vlt.s32 v4, v1  }
0x71: {  	vm13 =	vmand vm13, vm14;
	vm14 =	vne.s32 v4, v5  }
0x72: {  	v4 =	vsub.s32 v4, v0;
	vm13 =	vmand vm13, vm14  }
0x73: {  	v5 =	vld [tilespmem:s22+$0xFFFFFFE0];
	v4 =	vnsel vm13, $0x0, v4;
	_ =	sdelay $0x4  }
0x74: {  	[tilespmem:v4+s4+$0x0] =	vst.idx.add.f32.msk vm13, v5  }
0x75: {  	v4 =	vld [tilespmem:s21+$0xFFFFFFF0]  }
0x76: {  	v5 =	vld [tilespmem:s21+$0xFFFFFFF1];
	_ =	sdelay $0x3  }
0x77: {  	vm13 =	vge.s32 v4, v0;
	vm14 =	vlt.s32 v4, v1  }
0x78: {  	vm13 =	vmand vm13, vm14;
	vm14 =	vne.s32 v4, v5  }
0x79: {  	v4 =	vsub.s32 v4, v0;
	vm13 =	vmand vm13, vm14  }
0x7a: {  	v5 =	vld [tilespmem:s22+$0xFFFFFFF0];
	v4 =	vnsel vm13, $0x0, v4;
	_ =	sdelay $0x4  }
0x7b: {  	[tilespmem:v4+s4+$0x0] =	vst.idx.add.f32.msk vm13, v5  }
0x7c: {  	v4 =	vld [tilespmem:s21+$0x0]  }
0x7d: {  	v5 =	vld [tilespmem:s21+$0x1];
	_ =	sdelay $0x3  }
0x7e: {  	vm13 =	vge.s32 v4, v0;
	vm14 =	vlt.s32 v4, v1  }
0x7f: {  	vm13 =	vmand vm13, vm14;
	vm14 =	vne.s32 v4, v5  }
0x80: {  	v4 =	vsub.s32 v4, v0;
	vm13 =	vmand vm13, vm14  }
0x81: {  	v5 =	vld [tilespmem:s22+$0x0];
	v4 =	vnsel vm13, $0x0, v4;
	_ =	sdelay $0x4  }
0x82: {  	[tilespmem:v4+s4+$0x0] =	vst.idx.add.f32.msk vm13, v5  }
0x83: {  	v4 =	vld [tilespmem:s21+$0x10]  }
0x84: {  	v5 =	vld [tilespmem:s21+$0x11];
	_ =	sdelay $0x3  }
0x85: {  	vm13 =	vge.s32 v4, v0;
	vm14 =	vlt.s32 v4, v1  }
0x86: {  	vm13 =	vmand vm13, vm14;
	vm14 =	vne.s32 v4, v5  }
0x87: {  	v4 =	vsub.s32 v4, v0;
	vm13 =	vmand vm13, vm14  }
0x88: {  	v5 =	vld [tilespmem:s22+$0x10];
	v4 =	vnsel vm13, $0x0, v4;
	_ =	sdelay $0x4  }
0x89: {  	[tilespmem:v4+s4+$0x0] =	vst.idx.add.f32.msk vm13, v5  }
0x8a: {  	v4 =	vld [tilespmem:s21+$0x20]  }
0x8b: {  	v5 =	vld [tilespmem:s21+$0x21];
	_ =	sdelay $0x3  }
0x8c: {  	vm13 =	vge.s32 v4, v0;
	vm14 =	vlt.s32 v4, v1  }
0x8d: {  	vm13 =	vmand vm13, vm14;
	vm14 =	vne.s32 v4, v5  }
0x8e: {  	v4 =	vsub.s32 v4, v0;
	vm13 =	vmand vm13, vm14  }
0x8f: {  	v5 =	vld [tilespmem:s22+$0x20];
	v4 =	vnsel vm13, $0x0, v4;
	_ =	sdelay $0x4  }
0x90: {  	[tilespmem:v4+s4+$0x0] =	vst.idx.add.f32.msk vm13, v5  }
0x91: {  	v4 =	vld [tilespmem:s21+$0x30]  }
0x92: {  	v5 =	vld [tilespmem:s21+$0x31];
	_ =	sdelay $0x3  }
0x93: {  	vm13 =	vge.s32 v4, v0;
	vm14 =	vlt.s32 v4, v1  }
0x94: {  	vm13 =	vmand vm13, vm14;
	vm14 =	vne.s32 v4, v5  }
0x95: {  	s20 =	sadd.s32 $0x8, s20;
	v4 =	vsub.s32 v4, v0;
	vm13 =	vmand vm13, vm14  }
0x96: {  	p0 =	slt.u32 s20, $0xF8;
	v5 =	vld [tilespmem:s22+$0x30];
	v4 =	vnsel vm13, $0x0, v4  }
.Ltmp3:
0x97: {  	_ = 	snop;
	(pc) =	sbr.rel @p0 .LBB2_3-.Ltmp3, $2  }
0x98: {  	_ =	sdelay $0x2  }
0x99: {  	s21 =	sadd.s32 $0x80, s21;
	s22 =	sadd.s32 $0x80, s22;
	[tilespmem:v4+s4+$0x0] =	vst.idx.add.f32.msk vm13, v5  }
0x9a: {  	s19 =	sadd.s32 $0x1, s19  }
0x9b: {  	p0 =	sne.s32 s19, s18  }
.Ltmp4:
0x9c: {  	_ = 	snop;
	(pc) =	sbr.rel @p0 .LBB2_2-.Ltmp4, $1  }
0x9d: {  	_ =	sdelay $0x3  }
.LBB2_5:
0x9e: {  	s17 =	simm.s32 $0x0  }
0x9f: {  	[hbm4b:s9+s17] =	stream.linear.scatter [tilespmem:s17], [sflag:$0x1], $0x186A0, $0x38;
	[tilespmem:$0x1A800] =	vst v63  }
0xa0: {  	_ =	swait.ge [sflag:s13], $0x186A0  }
0xa1: {  	[sflag:s13] =	ssyncset.done $0x0  }
0xa2: {  	[sflag:s13] =	ssyncadd.s32 $0xFFFE7960  }
0xa3: {  	v4 =	vld [tilespmem:$0x1A780]  }
0xa4: {  	v5 =	vld [tilespmem:$0x1A790]  }
0xa5: {  	v6 =	vld [tilespmem:$0x1A7A0]  }
0xa6: {  	v7 =	vld [tilespmem:$0x1A7B0];
	_ =	sdelay $0x1  }
0xa7: {  	v8 =	vnsel vm3, $0x0, v4  }
0xa8: {  	v59 =	vnsel vm2, $0x0, v5;
	(xrf0) =	vadd.scan.msk.s32 $0xffff, v8  }
0xa9: {  	v60 =	vnsel vm1, $0x0, v6;
	(xrf0) =	vadd.scan.msk.s32 $0xffff, v59  }
0xaa: {  	v61 =	vnsel vm0, $0x0, v7;
	(xrf0) =	vadd.scan.msk.s32 $0xffff, v60  }
0xab: {  	v4 =	vnsel vm12, $0x0, v4;
	(xrf0) =	vadd.scan.msk.s32 $0xffff, v61  }
0xac: {  	(xrf0) =	vadd.scan.msk.s32 $0xffff, v4;
	v4 =	vnsel vm11, $0x0, v5;
	_ =	sdelay $0x1  }
0xad: {  	v5 =	vld [tilespmem:$0x1A7C0]  }
0xae: {  	v6 =	vnsel vm10, $0x0, v6;
	(xrf0) =	vadd.scan.msk.s32 $0xffff, v4;
	v4, _, _ =	vpop (xrf0)  }
0xaf: {  	(xrf0) =	vadd.scan.msk.s32 $0xffff, v6;
	(v2sf) =	vpush v4, $0xF;
	v4, _, _ =	vpop (xrf0)  }
0xb0: {  	v62, _, _ =	vpop (xrf0);
	(v2sf) =	vpush v4, $0xF;
	v4 =	vnsel vm9, $0x0, v7  }
0xb1: {  	(v2sf) =	vpush v62, $0xF;
	v63, _, _ =	vpop (xrf0)  }
0xb2: {  	v5 =	vnsel vm8, $0x0, v5;
	(xrf0) =	vadd.scan.msk.s32 $0xffff, v4;
	(v2sf) =	vpush v63, $0xF  }
0xb3: {  	(xrf0) =	vadd.scan.msk.s32 $0xffff, v5;
	v4, _, _ =	vpop (xrf0)  }
0xb4: {  	(v2sf) =	vpush v4, $0xF;
	v4, _, _ =	vpop (xrf0)  }
0xb5: {  	(v2sf) =	vpush v4, $0xF;
	v4, _, _ =	vpop (xrf0)  }
0xb6: {  	(v2sf) =	vpush v4, $0xF;
	_ =	sdelay $0x1  }
0xb7: {  	v4, _, _ =	vpop (xrf0)  }
0xb8: {  	(v2sf) =	vpush v4, $0xF;
	v4, _, _ =	vpop (xrf0)  }
0xb9: {  	(v2sf) =	vpush v4, $0xF;
	_ =	sdelay $0x3  }
0xba: {  	s18 =	spop (v2sf)  }
0xbb: {  	s19 =	spop (v2sf);
	s18 =	sadd.s32 s7, s18  }
0xbc: {  	s20 =	spop (v2sf);
	s18 =	sadd.s32 s19, s18  }
0xbd: {  	s21 =	spop (v2sf);
	s18 =	sadd.s32 s20, s18  }
0xbe: {  	s18 =	sadd.s32 s21, s18  }
0xbf: {  	s31 =	spop (v2sf);
	s22 =	sshra.s32 s18, $0x1F  }
0xc0: {  	s23 =	sand.u32 $0x7, s18;
	p0 =	slt.s32 s18, $0x1;
	s24 =	spop (v2sf)  }
0xc1: {  	s22 =	sshrl.u32 s22, $0x1D;
	p1 =	sne.s32 s23, $0x0;
	s25 =	spop (v2sf)  }
0xc2: {  	s18 =	sadd.s32 s22, s18;
	p0 =	por !p0, !p1;
	s22 =	simm.s32 $0x1  }
0xc3: {  	s19 =	sadd.s32 s24, s31;
	p0 =	por !p0, !p0;
	s18 =	sshrl.u32 s18, $0x3  }
0xc4: {  	s19 =	sadd.s32 s25, s19;
	s26 =	spop (v2sf);
	s22 =	simm.s32 @!p0 $0x0  }
0xc5: {  	s28 =	spop (v2sf);
	s18 =	ssub.s32 s18, s22;
	s19 =	sadd.s32 s26, s19  }
0xc6: {  	s18 =	sshll.u32 s18, $0x3;
	s19 =	sadd.s32 s28, s19  }
0xc7: {  	s19 =	ssub.s32 s19, s18  }
0xc8: {  	s19 =	sadd.s32 $0xFFF, s19  }
0xc9: {  	s29 =	sand.u32 $0xFFF, s19  }
0xca: {  	s30 =	sshra.s32 s19, $0x1F;
	p5 =	slt.s32 s19, $0x1;
	p6 =	sne.s32 s29, $0x0  }
0xcb: {  	s31 =	sshrl.u32 s30, $0x14;
	p0 =	por !p5, !p6  }
0xcc: {  	s20 =	simm.s32 $0x1;
	s19 =	sadd.s32 s31, s19;
	p0 =	por !p0, !p0  }
0xcd: {  	s19 =	sshra.s32 s19, $0xC;
	s20 =	simm.s32 @!p0 $0x0  }
0xce: {  	s19 =	ssub.s32 s19, s20  }
0xcf: {  	p0 =	slt.s32 s19, $0x1  }
.Ltmp5:
0xd0: {  	_ = 	snop;
	(pc) =	sbr.rel @p0 .LBB2_9-.Ltmp5, $4  }
0xd1: {  	[tilespmem:s17], [sflag:$0x1] =	stream.linear.gather [hbm4b:s3+s17], $0x18700, $0x38;
	[tilespmem:$0x1A800] =	vst v63  }
0xd2: {  	_ =	swait.ge [sflag:s13], $0x18700  }
0xd3: {  	[sflag:s13] =	ssyncset.done $0x0  }
0xd4: {  	[sflag:s13] =	ssyncadd.s32 $0xFFFE7900  }
.LBB2_6:
0xd5: {  	s20 =	sshll.u32 s17, $0xC  }
0xd6: {  	s20 =	sadd.s32 s18, s20  }
0xd7: {  	s20 =	sshrl.u32 s20, $0x3  }
0xd8: {  	s21 =	sadd.s32 s1, s20  }
0xd9: {  	[tilespmem:s14], [sflag:$0x1] =	stream.linear.gather [hbm4b:s21+s4], $0x1010, $0x38;
	[tilespmem:$0x1A800] =	vst v63  }
0xda: {  	_ =	swait.ge [sflag:s13], $0x1010  }
0xdb: {  	[sflag:s13] =	ssyncset.done $0x0  }
0xdc: {  	s20 =	sadd.s32 s2, s20;
	[sflag:s13] =	ssyncadd.s32 $0xFFFFEFF0  }
0xdd: {  	[tilespmem:s15], [sflag:$0x1] =	stream.linear.gather [hbm4b:s20+s4], $0x1000, $0x38;
	[tilespmem:$0x1A800] =	vst v63  }
0xde: {  	_ =	swait.ge [sflag:s13], $0x1000  }
0xdf: {  	s22 =	simm.s32 $0x197C0;
	[sflag:s13] =	ssyncset.done $0x0  }
0xe0: {  	s21 =	simm.s32 $0x18740;
	s20 =	simm.s32 $0xFFFFFFF8;
	[sflag:s13] =	ssyncadd.s32 $0xFFFFF000  }
.LBB2_7:
0xe1: {  	v4 =	vld [tilespmem:s21+$0xFFFFFFC0]  }
0xe2: {  	v5 =	vld [tilespmem:s21+$0xFFFFFFC1];
	_ =	sdelay $0x3  }
0xe3: {  	vm13 =	vge.s32 v4, v2;
	vm14 =	vlt.s32 v4, v3  }
0xe4: {  	vm13 =	vmand vm13, vm14;
	vm14 =	vne.s32 v4, v5  }
0xe5: {  	v4 =	vsub.s32 v4, v2;
	vm13 =	vmand vm13, vm14  }
0xe6: {  	v5 =	vld [tilespmem:s22+$0xFFFFFFC0];
	v4 =	vnsel vm13, $0x0, v4;
	_ =	sdelay $0x4  }
0xe7: {  	[tilespmem:v4+s4+$0x0] =	vst.idx.add.f32.msk vm13, v5  }
0xe8: {  	v4 =	vld [tilespmem:s21+$0xFFFFFFD0]  }
0xe9: {  	v5 =	vld [tilespmem:s21+$0xFFFFFFD1];
	_ =	sdelay $0x3  }
0xea: {  	vm13 =	vge.s32 v4, v2;
	vm14 =	vlt.s32 v4, v3  }
0xeb: {  	vm13 =	vmand vm13, vm14;
	vm14 =	vne.s32 v4, v5  }
0xec: {  	v4 =	vsub.s32 v4, v2;
	vm13 =	vmand vm13, vm14  }
0xed: {  	v5 =	vld [tilespmem:s22+$0xFFFFFFD0];
	v4 =	vnsel vm13, $0x0, v4;
	_ =	sdelay $0x4  }
0xee: {  	[tilespmem:v4+s4+$0x0] =	vst.idx.add.f32.msk vm13, v5  }
0xef: {  	v4 =	vld [tilespmem:s21+$0xFFFFFFE0]  }
0xf0: {  	v5 =	vld [tilespmem:s21+$0xFFFFFFE1];
	_ =	sdelay $0x3  }
0xf1: {  	vm13 =	vge.s32 v4, v2;
	vm14 =	vlt.s32 v4, v3  }
0xf2: {  	vm13 =	vmand vm13, vm14;
	vm14 =	vne.s32 v4, v5  }
0xf3: {  	v4 =	vsub.s32 v4, v2;
	vm13 =	vmand vm13, vm14  }
0xf4: {  	v5 =	vld [tilespmem:s22+$0xFFFFFFE0];
	v4 =	vnsel vm13, $0x0, v4;
	_ =	sdelay $0x4  }
0xf5: {  	[tilespmem:v4+s4+$0x0] =	vst.idx.add.f32.msk vm13, v5  }
0xf6: {  	v4 =	vld [tilespmem:s21+$0xFFFFFFF0]  }
0xf7: {  	v5 =	vld [tilespmem:s21+$0xFFFFFFF1];
	_ =	sdelay $0x3  }
0xf8: {  	vm13 =	vge.s32 v4, v2;
	vm14 =	vlt.s32 v4, v3  }
0xf9: {  	vm13 =	vmand vm13, vm14;
	vm14 =	vne.s32 v4, v5  }
0xfa: {  	v4 =	vsub.s32 v4, v2;
	vm13 =	vmand vm13, vm14  }
0xfb: {  	v5 =	vld [tilespmem:s22+$0xFFFFFFF0];
	v4 =	vnsel vm13, $0x0, v4;
	_ =	sdelay $0x4  }
0xfc: {  	[tilespmem:v4+s4+$0x0] =	vst.idx.add.f32.msk vm13, v5  }
0xfd: {  	v4 =	vld [tilespmem:s21+$0x0]  }
0xfe: {  	v5 =	vld [tilespmem:s21+$0x1];
	_ =	sdelay $0x3  }
0xff: {  	vm13 =	vge.s32 v4, v2;
	vm14 =	vlt.s32 v4, v3  }
0x100: {  	vm13 =	vmand vm13, vm14;
	vm14 =	vne.s32 v4, v5  }
0x101: {  	v4 =	vsub.s32 v4, v2;
	vm13 =	vmand vm13, vm14  }
0x102: {  	v5 =	vld [tilespmem:s22+$0x0];
	v4 =	vnsel vm13, $0x0, v4;
	_ =	sdelay $0x4  }
0x103: {  	[tilespmem:v4+s4+$0x0] =	vst.idx.add.f32.msk vm13, v5  }
0x104: {  	v4 =	vld [tilespmem:s21+$0x10]  }
0x105: {  	v5 =	vld [tilespmem:s21+$0x11];
	_ =	sdelay $0x3  }
0x106: {  	vm13 =	vge.s32 v4, v2;
	vm14 =	vlt.s32 v4, v3  }
0x107: {  	vm13 =	vmand vm13, vm14;
	vm14 =	vne.s32 v4, v5  }
0x108: {  	v4 =	vsub.s32 v4, v2;
	vm13 =	vmand vm13, vm14  }
0x109: {  	v5 =	vld [tilespmem:s22+$0x10];
	v4 =	vnsel vm13, $0x0, v4;
	_ =	sdelay $0x4  }
0x10a: {  	[tilespmem:v4+s4+$0x0] =	vst.idx.add.f32.msk vm13, v5  }
0x10b: {  	v4 =	vld [tilespmem:s21+$0x20]  }
0x10c: {  	v5 =	vld [tilespmem:s21+$0x21];
	_ =	sdelay $0x3  }
0x10d: {  	vm13 =	vge.s32 v4, v2;
	vm14 =	vlt.s32 v4, v3  }
0x10e: {  	vm13 =	vmand vm13, vm14;
	vm14 =	vne.s32 v4, v5  }
0x10f: {  	v4 =	vsub.s32 v4, v2;
	vm13 =	vmand vm13, vm14  }
0x110: {  	v5 =	vld [tilespmem:s22+$0x20];
	v4 =	vnsel vm13, $0x0, v4;
	_ =	sdelay $0x4  }
0x111: {  	[tilespmem:v4+s4+$0x0] =	vst.idx.add.f32.msk vm13, v5  }
0x112: {  	v4 =	vld [tilespmem:s21+$0x30]  }
0x113: {  	v5 =	vld [tilespmem:s21+$0x31];
	_ =	sdelay $0x3  }
0x114: {  	vm13 =	vge.s32 v4, v2;
	vm14 =	vlt.s32 v4, v3  }
0x115: {  	vm13 =	vmand vm13, vm14;
	vm14 =	vne.s32 v4, v5  }
0x116: {  	s20 =	sadd.s32 $0x8, s20;
	v4 =	vsub.s32 v4, v2;
	vm13 =	vmand vm13, vm14  }
0x117: {  	p0 =	slt.u32 s20, $0xF8;
	v5 =	vld [tilespmem:s22+$0x30];
	v4 =	vnsel vm13, $0x0, v4  }
.Ltmp6:
0x118: {  	_ = 	snop;
	(pc) =	sbr.rel @p0 .LBB2_7-.Ltmp6, $2  }
0x119: {  	_ =	sdelay $0x2  }
0x11a: {  	s21 =	sadd.s32 $0x80, s21;
	s22 =	sadd.s32 $0x80, s22;
	[tilespmem:v4+s4+$0x0] =	vst.idx.add.f32.msk vm13, v5  }
0x11b: {  	s17 =	sadd.s32 $0x1, s17  }
0x11c: {  	p0 =	sne.s32 s17, s19  }
.Ltmp7:
0x11d: {  	_ = 	snop;
	(pc) =	sbr.rel @p0 .LBB2_6-.Ltmp7, $4  }
.Ltmp8:
0x11e: {  	_ = 	snop;
	(pc) =	sbr.rel @!p0 .LBB2_9-.Ltmp8, $4  }
0x11f: {  	_ = 	snop  }
0x120: {  	_ = 	snop  }
0x121: {  	_ = 	snop  }
0x122: {  	_ = 	snop  }
.LBB2_10:
0x123: {  	_ =	sfence.sel $0x180000  }
0x124: {  	[bflag:$0x0] =	sbarrier.arrive $0xFFFF  }
0x125: {  	p0 =	sne.s32 s5, $0x0;
	_ =	strace $0x90000047  }
0x126: {  	s0 =	sadd.s32 @!p0 $0x100000, s0;
	[bflag:$0x2] =	sbarrier.arrive $0xFFFF  }
0x127: {  	[sflag:s0] =	ssyncadd.tile.s32 @!p0 $0x1;
	_ =	shalt  }
.Lfunc_end2:
_tile_overlayer_lowered:
.L_overlay_start_2:
0x128: {  	(tag) =	ssettag $0x2  }
0x129: {  	s0 =	rddreg [dreg:$0x0];
	s2 =	stileid.u32  }
0x12a: {  	s1 =	rddreg [dreg:$0x1];
	p0 =	sne.s32 s2, $0x0  }
0x12b: {  	s3 =	rddreg [dreg:$0x2];
	[bflag:$0x3] =	sbarrier.arrive $0xFFFF;
	s2 =	simm.s32 @!p0 $0x1C01  }
0x12c: {  	[timem:s3], [sflag:s2] =	dma.local @!p0 [hbm:s0], s1  }
0x12d: {  	s0 =	simm.s32 @!p0 $0x1  }
0x12e: {  	_ =	swait.ge @!p0 [sflag:s0], s1  }
0x12f: {  	s1 =	ssub.s32 @!p0 $0x0, s1;
	[sflag:s0] =	ssyncset.done @!p0 $0x0  }
0x130: {  	[sflag:s0] =	ssyncadd.s32 @!p0 s1  }
0x131: {  	[bflag:$0x3] =	sbarrier.arrive $0xFFFF  }
0x132: {  	_ =	shalt  }

</sc_bundles>
